<compile_context>
chip_gen: v7x
topology: tpu7x:2x2x1
jax: 0.10.2.dev20260603
libtpu: 0.0.44.dev20260713+nightly
codegen_flags: <defaults>
</compile_context>

<pallas_src>
import functools

import jax
import jax.numpy as jnp
import numpy as np
from jax import lax
from jax.experimental import pallas as pl
from jax.experimental.pallas import tpu as pltpu
from jax.experimental.pallas import tpu_sc as plsc

_DIM = 3
_N_LEVELS = 16
_N_FEATS = 2
_T = 32768
_RANGE = 1.0
_BASE_RES = 16
_FINEST_RES = 512
_growth = np.exp((np.log(_FINEST_RES) - np.log(_BASE_RES)) / (_N_LEVELS - 1))
_RES = np.floor(_BASE_RES * (_growth ** np.arange(_N_LEVELS))).astype(np.float64)
_P1 = np.int32(np.uint32(2654435761))
_P2 = np.int32(np.uint32(805459861))
_MASK = np.int32(_T - 1)

_NC = 2
_NS = 16
_B = 4096
_BS = _B // _NS


def _body(x_hbm, tab_hbm, out_hbm,
          table_v, coord_v, f_v, loc_v, outb_v, shared):
    c = lax.axis_index("c")
    s = lax.axis_index("s")
    n_half = x_hbm.shape[1] // _NC
    rounds = n_half // _B

    lanes = lax.iota(jnp.int32, 16)

    tmp_v = outb_v
    chunk = tmp_v.shape[0]
    lanes2 = lanes * 2

    def stage_body(k, carry):
        pltpu.sync_copy(tab_hbm.at[s, pl.ds(k * chunk, chunk)], tmp_v)

        def de_body(g, carry2):
            ix = lanes2 + g * 32
            table_v[pl.ds(k * (chunk // 2) + g * 16, 16)] = (
                plsc.load_gather(tmp_v, [ix]))
            table_v[pl.ds(_T + k * (chunk // 2) + g * 16, 16)] = (
                plsc.load_gather(tmp_v, [ix + 1]))
            return carry2

        lax.fori_loop(0, chunk // 32, de_body, 0, unroll=2)
        return carry

    lax.fori_loop(0, 2 * _T // chunk, stage_body, 0)
    resh_s = jnp.float32(0.5 * float(_RES[0]))
    for k in range(1, _N_LEVELS):
        resh_s = jnp.where(s == k, jnp.float32(0.5 * float(_RES[k])), resh_s)
    resh = jnp.full((16,), resh_s, jnp.float32)
    half = jnp.full((16,), 0.5, jnp.float32)
    one = jnp.full((16,), 1.0, jnp.float32)

    l_lo = lanes >> 1
    l_hi = l_lo + 8
    f_ix = lanes & 1

    def round_body(r, carry):
        base = c * n_half + r * _B

        pltpu.sync_copy(x_hbm.at[:, pl.ds(base, _B)], coord_v)

        @plsc.parallel_loop(0, _B // 16, unroll=2)
        def group_body(g):
            off = g * 16
            xr = coord_v[0, pl.ds(off, 16)]
            yr = coord_v[1, pl.ds(off, 16)]
            zr = coord_v[2, pl.ds(off, 16)]
            xl = (xr + one) * resh
            yl = (yr + one) * resh
            zl = (zr + one) * resh
            xi = xl.astype(jnp.int32)
            yi = yl.astype(jnp.int32)
            zi = zl.astype(jnp.int32)
            fx = xl - xi.astype(jnp.float32)
            fy = yl - yi.astype(jnp.float32)
            fz = zl - zi.astype(jnp.float32)

            ax = xi
            ay = yi * _P1
            az = zi * _P2
            bx = ax + 1
            by = ay + _P1
            bz = az + _P2
            m00 = ay ^ az
            m01 = ay ^ bz
            m10 = by ^ az
            m11 = by ^ bz

            gx0 = one - fx
            gy0 = one - fy
            gz0 = one - fz
            w00 = gy0 * gz0
            w01 = gy0 * fz
            w10 = fy * gz0
            w11 = fy * fz

            corners = (
                (ax, m00, gx0, w00), (bx, m00, fx, w00),
                (ax, m10, gx0, w10), (bx, m10, fx, w10),
                (ax, m01, gx0, w01), (bx, m01, fx, w01),
                (ax, m11, gx0, w11), (bx, m11, fx, w11),
            )
            idxs = [(hx ^ myz) & _MASK for hx, myz, _, _ in corners]
            g0s = [plsc.load_gather(table_v, [i]) for i in idxs]
            g1s = [plsc.load_gather(table_v, [i + _T]) for i in idxs]
            ws = [wx * wyz for _, _, wx, wyz in corners]

            def tree_sum(vals):
                while len(vals) > 1:
                    vals = [a + b for a, b in zip(vals[::2], vals[1::2])]
                return vals[0]

            f_v[0, pl.ds(off, 16)] = tree_sum(
                [w * g for w, g in zip(ws, g0s)])
            f_v[1, pl.ds(off, 16)] = tree_sum(
                [w * g for w, g in zip(ws, g1s)])

        buf = r % 2
        pltpu.sync_copy(f_v, shared.at[buf, s])
        plsc.subcore_barrier()

        pltpu.sync_copy(shared.at[buf, :, :, pl.ds(s * _BS, _BS)], loc_v)

        def tr_body(p, carry2):
            p_ix = jnp.full((16,), p, jnp.int32)
            lo = plsc.load_gather(loc_v, [l_lo, f_ix, p_ix])
            hi = plsc.load_gather(loc_v, [l_hi, f_ix, p_ix])
            outb_v[pl.ds(p * 32, 16)] = lo
            outb_v[pl.ds(p * 32 + 16, 16)] = hi
            return carry2

        lax.fori_loop(0, _BS, tr_body, 0, unroll=2)

        row = base + s * _BS
        pltpu.sync_copy(outb_v, out_hbm.at[pl.ds(row * 32, _BS * 32)])
        return carry

    lax.fori_loop(0, rounds, round_body, 0)


@jax.jit
def _hash_grid_encode(x, tabs):
    n = x.shape[1]
    mesh = plsc.VectorSubcoreMesh(core_axis_name="c", subcore_axis_name="s")
    fn = pl.kernel(
        _body,
        out_type=jax.ShapeDtypeStruct((n * _N_LEVELS * _N_FEATS,), jnp.float32),
        mesh=mesh,
        compiler_params=pltpu.CompilerParams(needs_layout_passes=False),
        scratch_types=[
            pltpu.VMEM((2 * _T,), jnp.float32),
            pltpu.VMEM((_DIM, _B), jnp.float32),
            pltpu.VMEM((_N_FEATS, _B), jnp.float32),
            pltpu.VMEM((_NS, _N_FEATS, _BS), jnp.float32),
            pltpu.VMEM((_BS * 32,), jnp.float32),
            pltpu.VMEM_SHARED((2, _NS, _N_FEATS, _B), jnp.float32),
        ],
    )
    return fn(x, tabs)


def kernel(x, tables):
    n = x.shape[0]
    tabs = tables.reshape(_N_LEVELS, _N_FEATS * _T)
    out = _hash_grid_encode(x.T, tabs)
    return out.reshape(n, _N_LEVELS * _N_FEATS)

# --- scband reference (transcript-rebuilt; emitter-appended) ---
"""Pipeline reference for scband-hash-grid-lo-raencoder-70420283785503 (READ-ONLY COPY).

The authoritative reference and input builder live on the scoring server;
editing this copy changes nothing except your own understanding.
"""

import jax, jax.numpy as jnp
import numpy as np

RANGE = 1.0
DIM = 3
N_LEVELS = 16
N_FEATS = 2
LOG2_T = 15
T = 2 ** LOG2_T
BASE_RES = 16
FINEST_RES = 512
N_POINTS = 1048576

_b = np.exp((np.log(FINEST_RES) - np.log(BASE_RES)) / (N_LEVELS - 1))
RES = np.floor(BASE_RES * (_b ** np.arange(N_LEVELS))).astype(np.int64)
PRIMES = jnp.array([1, 2654435761, 805459861], dtype=jnp.uint32)
CORNERS = jnp.array([[(c >> d) & 1 for d in range(DIM)] for c in range(2 ** DIM)], dtype=jnp.uint32)


def setup_inputs(seed: int = 0):
    key = jax.random.key(seed)
    k1, k2 = jax.random.split(key)
    x = jax.random.uniform(k1, (N_POINTS, DIM), dtype=jnp.float32)
    tables = jax.random.uniform(k2, (N_LEVELS, T, N_FEATS), dtype=jnp.float32, minval=-1e-4, maxval=1e-4)
    return {"x": x, "tables": tables}


def _encode(xn, tables):
    # xn: [N, DIM] normalized coords in [0, 1]; tables: [N_LEVELS, T, N_FEATS]
    outs = []
    for l in range(N_LEVELS):
        res = float(RES[l])
        xl = xn * res
        xi_f = jnp.floor(xl)
        frac = xl - xi_f
        xi = xi_f.astype(jnp.uint32)
        # 2^DIM corner integer coords: [N, 8, DIM]
        cidx = xi[:, None, :] + CORNERS[None, :, :]
        # spatial hash: xor of coord*prime, modulo table size
        hp = cidx * PRIMES
        hv = hp[..., 0]
        for d in range(1, DIM):
            hv = hv ^ hp[..., d]
        idx = (hv % jnp.uint32(T)).astype(jnp.int32)  # [N, 8]
        # trilinear interpolation weights
        w = jnp.where(CORNERS[None, :, :] == 1, frac[:, None, :], 1.0 - frac[:, None, :])
        w = jnp.prod(w, axis=-1)  # [N, 8]
        feats = jnp.take(tables[l], idx, axis=0)  # [N, 8, N_FEATS]
        outs.append(jnp.sum(w[..., None] * feats, axis=1))
    return jnp.concatenate(outs, axis=-1)


def reference(x, tables):
    # HashGridLoRAEncoder.forward: normalize by range, flatten, encode, cast float
    xn = (x + RANGE) / (2.0 * RANGE)
    xn = xn.reshape(-1, DIM)
    out = _encode(xn, tables).astype(jnp.float32)
    return out.reshape(x.shape[:-1] + (N_LEVELS * N_FEATS,))

if __name__ == "__main__":
    import jax
    _d = setup_inputs()
    print(jax.jit(kernel)(*tuple(_d.values())))

</pallas_src>

<mosaic_0001>
#map = affine_map<(d0, d1) -> (0, 0)>
#map1 = affine_map<(d0, d1) -> (0)>
module attributes {stable_mosaic.version = 14 : i64} {
  func.func @_body(%arg0: i32, %arg1: i32, %arg2: memref<3x1048576xf32, #tpu.memory_space<hbm>>, %arg3: memref<16x65536xf32, #tpu.memory_space<hbm>>, %arg4: memref<33554432xf32, #tpu.memory_space<hbm>>, %arg5: memref<65536xf32, #tpu.memory_space<vmem>>, %arg6: memref<3x4096xf32, #tpu.memory_space<vmem>>, %arg7: memref<2x4096xf32, #tpu.memory_space<vmem>>, %arg8: memref<16x2x256xf32, #tpu.memory_space<vmem>>, %arg9: memref<8192xf32, #tpu.memory_space<vmem>>, %arg10: memref<2x16x2x4096xf32, #tpu.memory_space<vmem_shared>>) attributes {dimension_semantics = [#tpu.dimension_semantics<core_parallel>, #tpu.dimension_semantics<subcore_parallel>], iteration_bounds = array<i64: 2, 16>, scalar_prefetch = 0 : i64, scratch_operands = 6 : i64, tpu.core_type = #tpu.core_type<sc_vector_subcore>, window_params = [{transform_indices = #map}, {transform_indices = #map}, {transform_indices = #map1}]} {
    %iota3A = tpu.iota {dimensions = array<i32: 0>} : vector<16xi32>
    %mul3A = arith.constant 2 : i32
    %mul3A_0 = vector.broadcast %mul3A : i32 to vector<16xi32>
    %mul3A_1 = arith.muli %iota3A, %mul3A_0 : vector<16xi32>
    %scan3A = arith.constant 0 : i32
    %scan3A_2 = arith.constant 0 : i32
    %scan3A_3 = arith.constant 8 : i32
    %scan3A_4 = arith.addi %scan3A_2, %scan3A_3 : i32
    %scan3A_5 = arith.constant 1 : i32
    scf.for %scan3A_81 = %scan3A_2 to %scan3A_4 step %scan3A_5  : i32 {
      %mul3A_82 = arith.constant 8192 : i32
      %mul3A_83 = arith.muli %scan3A_81, %mul3A_82 : i32
      "tpu.region"() ({
        %run_scoped3A = tpu.sem_alloc : memref<!tpu.dma_semaphore, #tpu.memory_space<semaphore_mem>>
        %dma_start3A = tpu.memref_slice %arg3[%arg1, %mul3A_83] : memref<16x65536xf32, #tpu.memory_space<hbm>> -> memref<1x8192xf32, #tpu.memory_space<hbm>>
        %dma_start3A_90 = tpu.memref_squeeze %dma_start3A : memref<1x8192xf32, #tpu.memory_space<hbm>> -> memref<8192xf32, #tpu.memory_space<hbm>>
        %dma_start3A_91 = tpu.memref_slice %arg3[%arg1, %mul3A_83] : memref<16x65536xf32, #tpu.memory_space<hbm>> -> memref<1x8192xf32, #tpu.memory_space<hbm>>
        %dma_start3A_92 = tpu.memref_squeeze %dma_start3A_91 : memref<1x8192xf32, #tpu.memory_space<hbm>> -> memref<8192xf32, #tpu.memory_space<hbm>>
        tpu.enqueue_dma source(%dma_start3A_92 : memref<8192xf32, #tpu.memory_space<hbm>>) target(%arg9 : memref<8192xf32, #tpu.memory_space<vmem>>) target_semaphore(%run_scoped3A : memref<!tpu.dma_semaphore, #tpu.memory_space<semaphore_mem>>)
        %dma_wait3A = tpu.memref_slice %arg3[%arg1, %mul3A_83] : memref<16x65536xf32, #tpu.memory_space<hbm>> -> memref<1x8192xf32, #tpu.memory_space<hbm>>
        %dma_wait3A_93 = tpu.memref_squeeze %dma_wait3A : memref<1x8192xf32, #tpu.memory_space<hbm>> -> memref<8192xf32, #tpu.memory_space<hbm>>
        %dma_wait3A_94 = tpu.memref_slice %arg3[%arg1, %mul3A_83] : memref<16x65536xf32, #tpu.memory_space<hbm>> -> memref<1x8192xf32, #tpu.memory_space<hbm>>
        %dma_wait3A_95 = tpu.memref_squeeze %dma_wait3A_94 : memref<1x8192xf32, #tpu.memory_space<hbm>> -> memref<8192xf32, #tpu.memory_space<hbm>>
        tpu.wait_dma2 semaphore(%run_scoped3A : memref<!tpu.dma_semaphore, #tpu.memory_space<semaphore_mem>>) src(%dma_wait3A_95 : memref<8192xf32, #tpu.memory_space<hbm>>) dst(%arg9 : memref<8192xf32, #tpu.memory_space<vmem>>)
        tpu.yield
      }) : () -> ()
      %scan3A_84 = arith.constant 0 : i32
      %scan3A_85 = arith.constant 0 : i32
      %scan3A_86 = arith.constant 256 : i32
      %scan3A_87 = arith.addi %scan3A_85, %scan3A_86 : i32
      %scan3A_88 = arith.constant 2 : i32
      scf.for %scan3A_90 = %scan3A_85 to %scan3A_87 step %scan3A_88  : i32 {
        %mul3A_91 = arith.constant 32 : i32
        %mul3A_92 = arith.muli %scan3A_90, %mul3A_91 : i32
        %add3A_93 = vector.broadcast %mul3A_92 : i32 to vector<16xi32>
        %add3A_94 = arith.addi %mul3A_1, %add3A_93 : vector<16xi32>
        %gather3A = tpu.vector_load_idx %arg9[%add3A_94] : memref<8192xf32, #tpu.memory_space<vmem>>[vector<16xi32>], vector<16xf32>,
        %mul3A_95 = arith.constant 4096 : i32
        %mul3A_96 = arith.muli %scan3A_81, %mul3A_95 : i32
        %mul3A_97 = arith.constant 16 : i32
        %mul3A_98 = arith.muli %scan3A_90, %mul3A_97 : i32
        %add3A_99 = arith.addi %mul3A_96, %mul3A_98 : i32
        %swap3A = arith.index_cast %add3A_99 : i32 to index
        %swap3A_100 = tpu.vector_load %arg5[%swap3A] {strides = array<i32>} : memref<65536xf32, #tpu.memory_space<vmem>>, vector<16xf32>,
        tpu.vector_store %arg5[%swap3A], %gather3A {strides = array<i32>} : memref<65536xf32, #tpu.memory_space<vmem>>, vector<16xf32>,
        %add3A_101 = arith.constant 1 : i32
        %add3A_102 = vector.broadcast %add3A_101 : i32 to vector<16xi32>
        %add3A_103 = arith.addi %add3A_94, %add3A_102 : vector<16xi32>
        %gather3A_104 = tpu.vector_load_idx %arg9[%add3A_103] : memref<8192xf32, #tpu.memory_space<vmem>>[vector<16xi32>], vector<16xf32>,
        %mul3A_105 = arith.constant 4096 : i32
        %mul3A_106 = arith.muli %scan3A_81, %mul3A_105 : i32
        %add3A_107 = arith.constant 32768 : i32
        %add3A_108 = arith.addi %add3A_107, %mul3A_106 : i32
        %mul3A_109 = arith.constant 16 : i32
        %mul3A_110 = arith.muli %scan3A_90, %mul3A_109 : i32
        %add3A_111 = arith.addi %add3A_108, %mul3A_110 : i32
        %swap3A_112 = arith.index_cast %add3A_111 : i32 to index
        %swap3A_113 = tpu.vector_load %arg5[%swap3A_112] {strides = array<i32>} : memref<65536xf32, #tpu.memory_space<vmem>>, vector<16xf32>,
        tpu.vector_store %arg5[%swap3A_112], %gather3A_104 {strides = array<i32>} : memref<65536xf32, #tpu.memory_space<vmem>>, vector<16xf32>,
        %scan3A_114 = arith.constant 1 : i32
        %scan3A_115 = arith.addi %scan3A_90, %scan3A_114 : i32
        %mul3A_116 = arith.constant 32 : i32
        %mul3A_117 = arith.muli %scan3A_115, %mul3A_116 : i32
        %add3A_118 = vector.broadcast %mul3A_117 : i32 to vector<16xi32>
        %add3A_119 = arith.addi %mul3A_1, %add3A_118 : vector<16xi32>
        %gather3A_120 = tpu.vector_load_idx %arg9[%add3A_119] : memref<8192xf32, #tpu.memory_space<vmem>>[vector<16xi32>], vector<16xf32>,
        %mul3A_121 = arith.constant 4096 : i32
        %mul3A_122 = arith.muli %scan3A_81, %mul3A_121 : i32
        %mul3A_123 = arith.constant 16 : i32
        %mul3A_124 = arith.muli %scan3A_115, %mul3A_123 : i32
        %add3A_125 = arith.addi %mul3A_122, %mul3A_124 : i32
        %swap3A_126 = arith.index_cast %add3A_125 : i32 to index
        %swap3A_127 = tpu.vector_load %arg5[%swap3A_126] {strides = array<i32>} : memref<65536xf32, #tpu.memory_space<vmem>>, vector<16xf32>,
        tpu.vector_store %arg5[%swap3A_126], %gather3A_120 {strides = array<i32>} : memref<65536xf32, #tpu.memory_space<vmem>>, vector<16xf32>,
        %add3A_128 = arith.constant 1 : i32
        %add3A_129 = vector.broadcast %add3A_128 : i32 to vector<16xi32>
        %add3A_130 = arith.addi %add3A_119, %add3A_129 : vector<16xi32>
        %gather3A_131 = tpu.vector_load_idx %arg9[%add3A_130] : memref<8192xf32, #tpu.memory_space<vmem>>[vector<16xi32>], vector<16xf32>,
        %mul3A_132 = arith.constant 4096 : i32
        %mul3A_133 = arith.muli %scan3A_81, %mul3A_132 : i32
        %add3A_134 = arith.constant 32768 : i32
        %add3A_135 = arith.addi %add3A_134, %mul3A_133 : i32
        %mul3A_136 = arith.constant 16 : i32
        %mul3A_137 = arith.muli %scan3A_115, %mul3A_136 : i32
        %add3A_138 = arith.addi %add3A_135, %mul3A_137 : i32
        %swap3A_139 = arith.index_cast %add3A_138 : i32 to index
        %swap3A_140 = tpu.vector_load %arg5[%swap3A_139] {strides = array<i32>} : memref<65536xf32, #tpu.memory_space<vmem>>, vector<16xf32>,
        tpu.vector_store %arg5[%swap3A_139], %gather3A_131 {strides = array<i32>} : memref<65536xf32, #tpu.memory_space<vmem>>, vector<16xf32>,
      }
      %scan3A_89 = arith.constant 256 : i32
    }
    %scan3A_6 = arith.constant 8 : i32
    %eq3A = arith.constant 1 : i32
    %eq3A_7 = arith.cmpi eq, %arg1, %eq3A : i32
    %jit3A = arith.constant 1.000000e+01 : f32
    %jit3A_8 = arith.constant 8.000000e+00 : f32
    %select_n3A = arith.select %eq3A_7, %jit3A, %jit3A_8 : f32
    %eq3A_9 = arith.constant 2 : i32
    %eq3A_10 = arith.cmpi eq, %arg1, %eq3A_9 : i32
    %jit3A_11 = arith.constant 1.250000e+01 : f32
    %select_n3A_12 = arith.select %eq3A_10, %jit3A_11, %select_n3A : f32
    %eq3A_13 = arith.constant 3 : i32
    %eq3A_14 = arith.cmpi eq, %arg1, %eq3A_13 : i32
    %jit3A_15 = arith.constant 1.600000e+01 : f32
    %select_n3A_16 = arith.select %eq3A_14, %jit3A_15, %select_n3A_12 : f32
    %eq3A_17 = arith.constant 4 : i32
    %eq3A_18 = arith.cmpi eq, %arg1, %eq3A_17 : i32
    %jit3A_19 = arith.constant 2.000000e+01 : f32
    %select_n3A_20 = arith.select %eq3A_18, %jit3A_19, %select_n3A_16 : f32
    %eq3A_21 = arith.constant 5 : i32
    %eq3A_22 = arith.cmpi eq, %arg1, %eq3A_21 : i32
    %jit3A_23 = arith.constant 2.500000e+01 : f32
    %select_n3A_24 = arith.select %eq3A_22, %jit3A_23, %select_n3A_20 : f32
    %eq3A_25 = arith.constant 6 : i32
    %eq3A_26 = arith.cmpi eq, %arg1, %eq3A_25 : i32
    %jit3A_27 = arith.constant 3.200000e+01 : f32
    %select_n3A_28 = arith.select %eq3A_26, %jit3A_27, %select_n3A_24 : f32
    %eq3A_29 = arith.constant 7 : i32
    %eq3A_30 = arith.cmpi eq, %arg1, %eq3A_29 : i32
    %jit3A_31 = arith.constant 4.000000e+01 : f32
    %select_n3A_32 = arith.select %eq3A_30, %jit3A_31, %select_n3A_28 : f32
    %eq3A_33 = arith.constant 8 : i32
    %eq3A_34 = arith.cmpi eq, %arg1, %eq3A_33 : i32
    %jit3A_35 = arith.constant 5.050000e+01 : f32
    %select_n3A_36 = arith.select %eq3A_34, %jit3A_35, %select_n3A_32 : f32
    %eq3A_37 = arith.constant 9 : i32
    %eq3A_38 = arith.cmpi eq, %arg1, %eq3A_37 : i32
    %jit3A_39 = arith.constant 6.400000e+01 : f32
    %select_n3A_40 = arith.select %eq3A_38, %jit3A_39, %select_n3A_36 : f32
    %eq3A_41 = arith.constant 10 : i32
    %eq3A_42 = arith.cmpi eq, %arg1, %eq3A_41 : i32
    %jit3A_43 = arith.constant 8.050000e+01 : f32
    %select_n3A_44 = arith.select %eq3A_42, %jit3A_43, %select_n3A_40 : f32
    %eq3A_45 = arith.constant 11 : i32
    %eq3A_46 = arith.cmpi eq, %arg1, %eq3A_45 : i32
    %jit3A_47 = arith.constant 1.015000e+02 : f32
    %select_n3A_48 = arith.select %eq3A_46, %jit3A_47, %select_n3A_44 : f32
    %eq3A_49 = arith.constant 12 : i32
    %eq3A_50 = arith.cmpi eq, %arg1, %eq3A_49 : i32
    %jit3A_51 = arith.constant 1.280000e+02 : f32
    %select_n3A_52 = arith.select %eq3A_50, %jit3A_51, %select_n3A_48 : f32
    %eq3A_53 = arith.constant 13 : i32
    %eq3A_54 = arith.cmpi eq, %arg1, %eq3A_53 : i32
    %jit3A_55 = arith.constant 1.610000e+02 : f32
    %select_n3A_56 = arith.select %eq3A_54, %jit3A_55, %select_n3A_52 : f32
    %eq3A_57 = arith.constant 14 : i32
    %eq3A_58 = arith.cmpi eq, %arg1, %eq3A_57 : i32
    %jit3A_59 = arith.constant 2.030000e+02 : f32
    %select_n3A_60 = arith.select %eq3A_58, %jit3A_59, %select_n3A_56 : f32
    %eq3A_61 = arith.constant 15 : i32
    %eq3A_62 = arith.cmpi eq, %arg1, %eq3A_61 : i32
    %jit3A_63 = arith.constant 2.560000e+02 : f32
    %select_n3A_64 = arith.select %eq3A_62, %jit3A_63, %select_n3A_60 : f32
    %broadcast_in_dim3A = vector.broadcast %select_n3A_64 : f32 to vector<16xf32>
    %broadcast_in_dim3A_65 = arith.constant 5.000000e-01 : f32
    %broadcast_in_dim3A_66 = vector.broadcast %broadcast_in_dim3A_65 : f32 to vector<16xf32>
    %broadcast_in_dim3A_67 = arith.constant 1.000000e+00 : f32
    %broadcast_in_dim3A_68 = vector.broadcast %broadcast_in_dim3A_67 : f32 to vector<16xf32>
    %shift_right_arithmetic3A = arith.constant 1 : i32
    %shift_right_arithmetic3A_69 = vector.broadcast %shift_right_arithmetic3A : i32 to vector<16xi32>
    %shift_right_arithmetic3A_70 = arith.shrsi %iota3A, %shift_right_arithmetic3A_69 : vector<16xi32>
    %add3A = arith.constant 8 : i32
    %add3A_71 = vector.broadcast %add3A : i32 to vector<16xi32>
    %add3A_72 = arith.addi %shift_right_arithmetic3A_70, %add3A_71 : vector<16xi32>
    %and3A = arith.constant 1 : i32
    %and3A_73 = vector.broadcast %and3A : i32 to vector<16xi32>
    %and3A_74 = arith.andi %iota3A, %and3A_73 : vector<16xi32>
    %scan3A_75 = arith.constant 0 : i32
    %scan3A_76 = arith.constant 0 : i32
    %scan3A_77 = arith.constant 128 : i32
    %scan3A_78 = arith.addi %scan3A_76, %scan3A_77 : i32
    %scan3A_79 = arith.constant 1 : i32
    scf.for %scan3A_81 = %scan3A_76 to %scan3A_78 step %scan3A_79  : i32 {
      %mul3A_82 = arith.constant 524288 : i32
      %mul3A_83 = arith.muli %arg0, %mul3A_82 : i32
      %mul3A_84 = arith.constant 4096 : i32
      %mul3A_85 = arith.muli %scan3A_81, %mul3A_84 : i32
      %add3A_86 = arith.addi %mul3A_83, %mul3A_85 : i32
      "tpu.region"() ({
        %run_scoped3A = tpu.sem_alloc : memref<!tpu.dma_semaphore, #tpu.memory_space<semaphore_mem>>
        %dma_start3A = arith.constant 0 : i32
        %dma_start3A_115 = tpu.memref_slice %arg2[%dma_start3A, %add3A_86] : memref<3x1048576xf32, #tpu.memory_space<hbm>> -> memref<3x4096xf32, #tpu.memory_space<hbm>>
        %dma_start3A_116 = arith.constant 0 : i32
        %dma_start3A_117 = tpu.memref_slice %arg2[%dma_start3A_116, %add3A_86] : memref<3x1048576xf32, #tpu.memory_space<hbm>> -> memref<3x4096xf32, #tpu.memory_space<hbm>>
        tpu.enqueue_dma source(%dma_start3A_117 : memref<3x4096xf32, #tpu.memory_space<hbm>>) target(%arg6 : memref<3x4096xf32, #tpu.memory_space<vmem>>) target_semaphore(%run_scoped3A : memref<!tpu.dma_semaphore, #tpu.memory_space<semaphore_mem>>)
        %dma_wait3A = arith.constant 0 : i32
        %dma_wait3A_118 = tpu.memref_slice %arg2[%dma_wait3A, %add3A_86] : memref<3x1048576xf32, #tpu.memory_space<hbm>> -> memref<3x4096xf32, #tpu.memory_space<hbm>>
        %dma_wait3A_119 = arith.constant 0 : i32
        %dma_wait3A_120 = tpu.memref_slice %arg2[%dma_wait3A_119, %add3A_86] : memref<3x1048576xf32, #tpu.memory_space<hbm>> -> memref<3x4096xf32, #tpu.memory_space<hbm>>
        tpu.wait_dma2 semaphore(%run_scoped3A : memref<!tpu.dma_semaphore, #tpu.memory_space<semaphore_mem>>) src(%dma_wait3A_120 : memref<3x4096xf32, #tpu.memory_space<hbm>>) dst(%arg6 : memref<3x4096xf32, #tpu.memory_space<vmem>>)
        tpu.yield
      }) : () -> ()
      %parallel_loop3A = arith.constant 0 : i32
      %parallel_loop3A_87 = arith.constant 256 : i32
      %parallel_loop3A_88 = arith.constant 1 : i32
      scf.for %parallel_loop3A_115 = %parallel_loop3A to %parallel_loop3A_87 step %parallel_loop3A_88  : i32 {
        %parallel_loop3A_116 = arith.constant 16 : i32
        %parallel_loop3A_117 = arith.muli %parallel_loop3A_115, %parallel_loop3A_116 : i32
        %parallel_loop3A_118 = arith.constant 0 : i32
        %parallel_loop3A_119 = arith.index_cast %parallel_loop3A_118 : i32 to index
        %parallel_loop3A_120 = arith.index_cast %parallel_loop3A_117 : i32 to index
        %parallel_loop3A_121 = tpu.vector_load %arg6[%parallel_loop3A_119, %parallel_loop3A_120] {strides = array<i32>} : memref<3x4096xf32, #tpu.memory_space<vmem>>, vector<16xf32>,
        %parallel_loop3A_122 = arith.constant 1 : i32
        %parallel_loop3A_123 = arith.index_cast %parallel_loop3A_122 : i32 to index
        %parallel_loop3A_124 = arith.index_cast %parallel_loop3A_117 : i32 to index
        %parallel_loop3A_125 = tpu.vector_load %arg6[%parallel_loop3A_123, %parallel_loop3A_124] {strides = array<i32>} : memref<3x4096xf32, #tpu.memory_space<vmem>>, vector<16xf32>,
        %parallel_loop3A_126 = arith.constant 2 : i32
        %parallel_loop3A_127 = arith.index_cast %parallel_loop3A_126 : i32 to index
        %parallel_loop3A_128 = arith.index_cast %parallel_loop3A_117 : i32 to index
        %parallel_loop3A_129 = tpu.vector_load %arg6[%parallel_loop3A_127, %parallel_loop3A_128] {strides = array<i32>} : memref<3x4096xf32, #tpu.memory_space<vmem>>, vector<16xf32>,
        %parallel_loop3A_130 = arith.addf %parallel_loop3A_121, %broadcast_in_dim3A_68 : vector<16xf32>
        %parallel_loop3A_131 = arith.mulf %parallel_loop3A_130, %broadcast_in_dim3A : vector<16xf32>
        %parallel_loop3A_132 = arith.addf %parallel_loop3A_125, %broadcast_in_dim3A_68 : vector<16xf32>
        %parallel_loop3A_133 = arith.mulf %parallel_loop3A_132, %broadcast_in_dim3A : vector<16xf32>
        %parallel_loop3A_134 = arith.addf %parallel_loop3A_129, %broadcast_in_dim3A_68 : vector<16xf32>
        %parallel_loop3A_135 = arith.mulf %parallel_loop3A_134, %broadcast_in_dim3A : vector<16xf32>
        %parallel_loop3A_136 = arith.fptosi %parallel_loop3A_131 : vector<16xf32> to vector<16xi32>
        %parallel_loop3A_137 = arith.fptosi %parallel_loop3A_133 : vector<16xf32> to vector<16xi32>
        %parallel_loop3A_138 = arith.fptosi %parallel_loop3A_135 : vector<16xf32> to vector<16xi32>
        %parallel_loop3A_139 = arith.sitofp %parallel_loop3A_136 : vector<16xi32> to vector<16xf32>
        %parallel_loop3A_140 = arith.subf %parallel_loop3A_131, %parallel_loop3A_139 : vector<16xf32>
        %parallel_loop3A_141 = arith.sitofp %parallel_loop3A_137 : vector<16xi32> to vector<16xf32>
        %parallel_loop3A_142 = arith.subf %parallel_loop3A_133, %parallel_loop3A_141 : vector<16xf32>
        %parallel_loop3A_143 = arith.sitofp %parallel_loop3A_138 : vector<16xi32> to vector<16xf32>
        %parallel_loop3A_144 = arith.subf %parallel_loop3A_135, %parallel_loop3A_143 : vector<16xf32>
        %parallel_loop3A_145 = arith.constant -1640531535 : i32
        %parallel_loop3A_146 = vector.broadcast %parallel_loop3A_145 : i32 to vector<16xi32>
        %parallel_loop3A_147 = arith.muli %parallel_loop3A_137, %parallel_loop3A_146 : vector<16xi32>
        %parallel_loop3A_148 = arith.constant 805459861 : i32
        %parallel_loop3A_149 = vector.broadcast %parallel_loop3A_148 : i32 to vector<16xi32>
        %parallel_loop3A_150 = arith.muli %parallel_loop3A_138, %parallel_loop3A_149 : vector<16xi32>
        %parallel_loop3A_151 = arith.constant 1 : i32
        %parallel_loop3A_152 = vector.broadcast %parallel_loop3A_151 : i32 to vector<16xi32>
        %parallel_loop3A_153 = arith.addi %parallel_loop3A_136, %parallel_loop3A_152 : vector<16xi32>
        %parallel_loop3A_154 = arith.constant -1640531535 : i32
        %parallel_loop3A_155 = vector.broadcast %parallel_loop3A_154 : i32 to vector<16xi32>
        %parallel_loop3A_156 = arith.addi %parallel_loop3A_147, %parallel_loop3A_155 : vector<16xi32>
        %parallel_loop3A_157 = arith.constant 805459861 : i32
        %parallel_loop3A_158 = vector.broadcast %parallel_loop3A_157 : i32 to vector<16xi32>
        %parallel_loop3A_159 = arith.addi %parallel_loop3A_150, %parallel_loop3A_158 : vector<16xi32>
        %parallel_loop3A_160 = arith.xori %parallel_loop3A_147, %parallel_loop3A_150 : vector<16xi32>
        %parallel_loop3A_161 = arith.xori %parallel_loop3A_147, %parallel_loop3A_159 : vector<16xi32>
        %parallel_loop3A_162 = arith.xori %parallel_loop3A_156, %parallel_loop3A_150 : vector<16xi32>
        %parallel_loop3A_163 = arith.xori %parallel_loop3A_156, %parallel_loop3A_159 : vector<16xi32>
        %parallel_loop3A_164 = arith.subf %broadcast_in_dim3A_68, %parallel_loop3A_140 : vector<16xf32>
        %parallel_loop3A_165 = arith.subf %broadcast_in_dim3A_68, %parallel_loop3A_142 : vector<16xf32>
        %parallel_loop3A_166 = arith.subf %broadcast_in_dim3A_68, %parallel_loop3A_144 : vector<16xf32>
        %parallel_loop3A_167 = arith.mulf %parallel_loop3A_165, %parallel_loop3A_166 : vector<16xf32>
        %parallel_loop3A_168 = arith.mulf %parallel_loop3A_165, %parallel_loop3A_144 : vector<16xf32>
        %parallel_loop3A_169 = arith.mulf %parallel_loop3A_142, %parallel_loop3A_166 : vector<16xf32>
        %parallel_loop3A_170 = arith.mulf %parallel_loop3A_142, %parallel_loop3A_144 : vector<16xf32>
        %parallel_loop3A_171 = arith.xori %parallel_loop3A_136, %parallel_loop3A_160 : vector<16xi32>
        %parallel_loop3A_172 = arith.constant 32767 : i32
        %parallel_loop3A_173 = vector.broadcast %parallel_loop3A_172 : i32 to vector<16xi32>
        %parallel_loop3A_174 = arith.andi %parallel_loop3A_171, %parallel_loop3A_173 : vector<16xi32>
        %parallel_loop3A_175 = arith.xori %parallel_loop3A_153, %parallel_loop3A_160 : vector<16xi32>
        %parallel_loop3A_176 = arith.constant 32767 : i32
        %parallel_loop3A_177 = vector.broadcast %parallel_loop3A_176 : i32 to vector<16xi32>
        %parallel_loop3A_178 = arith.andi %parallel_loop3A_175, %parallel_loop3A_177 : vector<16xi32>
        %parallel_loop3A_179 = arith.xori %parallel_loop3A_136, %parallel_loop3A_162 : vector<16xi32>
        %parallel_loop3A_180 = arith.constant 32767 : i32
        %parallel_loop3A_181 = vector.broadcast %parallel_loop3A_180 : i32 to vector<16xi32>
        %parallel_loop3A_182 = arith.andi %parallel_loop3A_179, %parallel_loop3A_181 : vector<16xi32>
        %parallel_loop3A_183 = arith.xori %parallel_loop3A_153, %parallel_loop3A_162 : vector<16xi32>
        %parallel_loop3A_184 = arith.constant 32767 : i32
        %parallel_loop3A_185 = vector.broadcast %parallel_loop3A_184 : i32 to vector<16xi32>
        %parallel_loop3A_186 = arith.andi %parallel_loop3A_183, %parallel_loop3A_185 : vector<16xi32>
        %parallel_loop3A_187 = arith.xori %parallel_loop3A_136, %parallel_loop3A_161 : vector<16xi32>
        %parallel_loop3A_188 = arith.constant 32767 : i32
        %parallel_loop3A_189 = vector.broadcast %parallel_loop3A_188 : i32 to vector<16xi32>
        %parallel_loop3A_190 = arith.andi %parallel_loop3A_187, %parallel_loop3A_189 : vector<16xi32>
        %parallel_loop3A_191 = arith.xori %parallel_loop3A_153, %parallel_loop3A_161 : vector<16xi32>
        %parallel_loop3A_192 = arith.constant 32767 : i32
        %parallel_loop3A_193 = vector.broadcast %parallel_loop3A_192 : i32 to vector<16xi32>
        %parallel_loop3A_194 = arith.andi %parallel_loop3A_191, %parallel_loop3A_193 : vector<16xi32>
        %parallel_loop3A_195 = arith.xori %parallel_loop3A_136, %parallel_loop3A_163 : vector<16xi32>
        %parallel_loop3A_196 = arith.constant 32767 : i32
        %parallel_loop3A_197 = vector.broadcast %parallel_loop3A_196 : i32 to vector<16xi32>
        %parallel_loop3A_198 = arith.andi %parallel_loop3A_195, %parallel_loop3A_197 : vector<16xi32>
        %parallel_loop3A_199 = arith.xori %parallel_loop3A_153, %parallel_loop3A_163 : vector<16xi32>
        %parallel_loop3A_200 = arith.constant 32767 : i32
        %parallel_loop3A_201 = vector.broadcast %parallel_loop3A_200 : i32 to vector<16xi32>
        %parallel_loop3A_202 = arith.andi %parallel_loop3A_199, %parallel_loop3A_201 : vector<16xi32>
        %parallel_loop3A_203 = tpu.vector_load_idx %arg5[%parallel_loop3A_174] : memref<65536xf32, #tpu.memory_space<vmem>>[vector<16xi32>], vector<16xf32>,
        %parallel_loop3A_204 = tpu.vector_load_idx %arg5[%parallel_loop3A_178] : memref<65536xf32, #tpu.memory_space<vmem>>[vector<16xi32>], vector<16xf32>,
        %parallel_loop3A_205 = tpu.vector_load_idx %arg5[%parallel_loop3A_182] : memref<65536xf32, #tpu.memory_space<vmem>>[vector<16xi32>], vector<16xf32>,
        %parallel_loop3A_206 = tpu.vector_load_idx %arg5[%parallel_loop3A_186] : memref<65536xf32, #tpu.memory_space<vmem>>[vector<16xi32>], vector<16xf32>,
        %parallel_loop3A_207 = tpu.vector_load_idx %arg5[%parallel_loop3A_190] : memref<65536xf32, #tpu.memory_space<vmem>>[vector<16xi32>], vector<16xf32>,
        %parallel_loop3A_208 = tpu.vector_load_idx %arg5[%parallel_loop3A_194] : memref<65536xf32, #tpu.memory_space<vmem>>[vector<16xi32>], vector<16xf32>,
        %parallel_loop3A_209 = tpu.vector_load_idx %arg5[%parallel_loop3A_198] : memref<65536xf32, #tpu.memory_space<vmem>>[vector<16xi32>], vector<16xf32>,
        %parallel_loop3A_210 = tpu.vector_load_idx %arg5[%parallel_loop3A_202] : memref<65536xf32, #tpu.memory_space<vmem>>[vector<16xi32>], vector<16xf32>,
        %parallel_loop3A_211 = arith.constant 32768 : i32
        %parallel_loop3A_212 = vector.broadcast %parallel_loop3A_211 : i32 to vector<16xi32>
        %parallel_loop3A_213 = arith.addi %parallel_loop3A_174, %parallel_loop3A_212 : vector<16xi32>
        %parallel_loop3A_214 = tpu.vector_load_idx %arg5[%parallel_loop3A_213] : memref<65536xf32, #tpu.memory_space<vmem>>[vector<16xi32>], vector<16xf32>,
        %parallel_loop3A_215 = arith.constant 32768 : i32
        %parallel_loop3A_216 = vector.broadcast %parallel_loop3A_215 : i32 to vector<16xi32>
        %parallel_loop3A_217 = arith.addi %parallel_loop3A_178, %parallel_loop3A_216 : vector<16xi32>
        %parallel_loop3A_218 = tpu.vector_load_idx %arg5[%parallel_loop3A_217] : memref<65536xf32, #tpu.memory_space<vmem>>[vector<16xi32>], vector<16xf32>,
        %parallel_loop3A_219 = arith.constant 32768 : i32
        %parallel_loop3A_220 = vector.broadcast %parallel_loop3A_219 : i32 to vector<16xi32>
        %parallel_loop3A_221 = arith.addi %parallel_loop3A_182, %parallel_loop3A_220 : vector<16xi32>
        %parallel_loop3A_222 = tpu.vector_load_idx %arg5[%parallel_loop3A_221] : memref<65536xf32, #tpu.memory_space<vmem>>[vector<16xi32>], vector<16xf32>,
        %parallel_loop3A_223 = arith.constant 32768 : i32
        %parallel_loop3A_224 = vector.broadcast %parallel_loop3A_223 : i32 to vector<16xi32>
        %parallel_loop3A_225 = arith.addi %parallel_loop3A_186, %parallel_loop3A_224 : vector<16xi32>
        %parallel_loop3A_226 = tpu.vector_load_idx %arg5[%parallel_loop3A_225] : memref<65536xf32, #tpu.memory_space<vmem>>[vector<16xi32>], vector<16xf32>,
        %parallel_loop3A_227 = arith.constant 32768 : i32
        %parallel_loop3A_228 = vector.broadcast %parallel_loop3A_227 : i32 to vector<16xi32>
        %parallel_loop3A_229 = arith.addi %parallel_loop3A_190, %parallel_loop3A_228 : vector<16xi32>
        %parallel_loop3A_230 = tpu.vector_load_idx %arg5[%parallel_loop3A_229] : memref<65536xf32, #tpu.memory_space<vmem>>[vector<16xi32>], vector<16xf32>,
        %parallel_loop3A_231 = arith.constant 32768 : i32
        %parallel_loop3A_232 = vector.broadcast %parallel_loop3A_231 : i32 to vector<16xi32>
        %parallel_loop3A_233 = arith.addi %parallel_loop3A_194, %parallel_loop3A_232 : vector<16xi32>
        %parallel_loop3A_234 = tpu.vector_load_idx %arg5[%parallel_loop3A_233] : memref<65536xf32, #tpu.memory_space<vmem>>[vector<16xi32>], vector<16xf32>,
        %parallel_loop3A_235 = arith.constant 32768 : i32
        %parallel_loop3A_236 = vector.broadcast %parallel_loop3A_235 : i32 to vector<16xi32>
        %parallel_loop3A_237 = arith.addi %parallel_loop3A_198, %parallel_loop3A_236 : vector<16xi32>
        %parallel_loop3A_238 = tpu.vector_load_idx %arg5[%parallel_loop3A_237] : memref<65536xf32, #tpu.memory_space<vmem>>[vector<16xi32>], vector<16xf32>,
        %parallel_loop3A_239 = arith.constant 32768 : i32
        %parallel_loop3A_240 = vector.broadcast %parallel_loop3A_239 : i32 to vector<16xi32>
        %parallel_loop3A_241 = arith.addi %parallel_loop3A_202, %parallel_loop3A_240 : vector<16xi32>
        %parallel_loop3A_242 = tpu.vector_load_idx %arg5[%parallel_loop3A_241] : memref<65536xf32, #tpu.memory_space<vmem>>[vector<16xi32>], vector<16xf32>,
        %parallel_loop3A_243 = arith.mulf %parallel_loop3A_164, %parallel_loop3A_167 : vector<16xf32>
        %parallel_loop3A_244 = arith.mulf %parallel_loop3A_140, %parallel_loop3A_167 : vector<16xf32>
        %parallel_loop3A_245 = arith.mulf %parallel_loop3A_164, %parallel_loop3A_169 : vector<16xf32>
        %parallel_loop3A_246 = arith.mulf %parallel_loop3A_140, %parallel_loop3A_169 : vector<16xf32>
        %parallel_loop3A_247 = arith.mulf %parallel_loop3A_164, %parallel_loop3A_168 : vector<16xf32>
        %parallel_loop3A_248 = arith.mulf %parallel_loop3A_140, %parallel_loop3A_168 : vector<16xf32>
        %parallel_loop3A_249 = arith.mulf %parallel_loop3A_164, %parallel_loop3A_170 : vector<16xf32>
        %parallel_loop3A_250 = arith.mulf %parallel_loop3A_140, %parallel_loop3A_170 : vector<16xf32>
        %parallel_loop3A_251 = arith.mulf %parallel_loop3A_243, %parallel_loop3A_203 : vector<16xf32>
        %parallel_loop3A_252 = arith.mulf %parallel_loop3A_244, %parallel_loop3A_204 : vector<16xf32>
        %parallel_loop3A_253 = arith.mulf %parallel_loop3A_245, %parallel_loop3A_205 : vector<16xf32>
        %parallel_loop3A_254 = arith.mulf %parallel_loop3A_246, %parallel_loop3A_206 : vector<16xf32>
        %parallel_loop3A_255 = arith.mulf %parallel_loop3A_247, %parallel_loop3A_207 : vector<16xf32>
        %parallel_loop3A_256 = arith.mulf %parallel_loop3A_248, %parallel_loop3A_208 : vector<16xf32>
        %parallel_loop3A_257 = arith.mulf %parallel_loop3A_249, %parallel_loop3A_209 : vector<16xf32>
        %parallel_loop3A_258 = arith.mulf %parallel_loop3A_250, %parallel_loop3A_210 : vector<16xf32>
        %parallel_loop3A_259 = arith.addf %parallel_loop3A_251, %parallel_loop3A_252 : vector<16xf32>
        %parallel_loop3A_260 = arith.addf %parallel_loop3A_253, %parallel_loop3A_254 : vector<16xf32>
        %parallel_loop3A_261 = arith.addf %parallel_loop3A_255, %parallel_loop3A_256 : vector<16xf32>
        %parallel_loop3A_262 = arith.addf %parallel_loop3A_257, %parallel_loop3A_258 : vector<16xf32>
        %parallel_loop3A_263 = arith.addf %parallel_loop3A_259, %parallel_loop3A_260 : vector<16xf32>
        %parallel_loop3A_264 = arith.addf %parallel_loop3A_261, %parallel_loop3A_262 : vector<16xf32>
        %parallel_loop3A_265 = arith.addf %parallel_loop3A_263, %parallel_loop3A_264 : vector<16xf32>
        %parallel_loop3A_266 = arith.constant 0 : i32
        %parallel_loop3A_267 = arith.index_cast %parallel_loop3A_266 : i32 to index
        %parallel_loop3A_268 = arith.index_cast %parallel_loop3A_117 : i32 to index
        %parallel_loop3A_269 = tpu.vector_load %arg7[%parallel_loop3A_267, %parallel_loop3A_268] {strides = array<i32>} : memref<2x4096xf32, #tpu.memory_space<vmem>>, vector<16xf32>,
        tpu.vector_store %arg7[%parallel_loop3A_267, %parallel_loop3A_268], %parallel_loop3A_265 {strides = array<i32>} : memref<2x4096xf32, #tpu.memory_space<vmem>>, vector<16xf32>,
        %parallel_loop3A_270 = arith.mulf %parallel_loop3A_243, %parallel_loop3A_214 : vector<16xf32>
        %parallel_loop3A_271 = arith.mulf %parallel_loop3A_244, %parallel_loop3A_218 : vector<16xf32>
        %parallel_loop3A_272 = arith.mulf %parallel_loop3A_245, %parallel_loop3A_222 : vector<16xf32>
        %parallel_loop3A_273 = arith.mulf %parallel_loop3A_246, %parallel_loop3A_226 : vector<16xf32>
        %parallel_loop3A_274 = arith.mulf %parallel_loop3A_247, %parallel_loop3A_230 : vector<16xf32>
        %parallel_loop3A_275 = arith.mulf %parallel_loop3A_248, %parallel_loop3A_234 : vector<16xf32>
        %parallel_loop3A_276 = arith.mulf %parallel_loop3A_249, %parallel_loop3A_238 : vector<16xf32>
        %parallel_loop3A_277 = arith.mulf %parallel_loop3A_250, %parallel_loop3A_242 : vector<16xf32>
        %parallel_loop3A_278 = arith.addf %parallel_loop3A_270, %parallel_loop3A_271 : vector<16xf32>
        %parallel_loop3A_279 = arith.addf %parallel_loop3A_272, %parallel_loop3A_273 : vector<16xf32>
        %parallel_loop3A_280 = arith.addf %parallel_loop3A_274, %parallel_loop3A_275 : vector<16xf32>
        %parallel_loop3A_281 = arith.addf %parallel_loop3A_276, %parallel_loop3A_277 : vector<16xf32>
        %parallel_loop3A_282 = arith.addf %parallel_loop3A_278, %parallel_loop3A_279 : vector<16xf32>
        %parallel_loop3A_283 = arith.addf %parallel_loop3A_280, %parallel_loop3A_281 : vector<16xf32>
        %parallel_loop3A_284 = arith.addf %parallel_loop3A_282, %parallel_loop3A_283 : vector<16xf32>
        %parallel_loop3A_285 = arith.constant 1 : i32
        %parallel_loop3A_286 = arith.index_cast %parallel_loop3A_285 : i32 to index
        %parallel_loop3A_287 = arith.index_cast %parallel_loop3A_117 : i32 to index
        %parallel_loop3A_288 = tpu.vector_load %arg7[%parallel_loop3A_286, %parallel_loop3A_287] {strides = array<i32>} : memref<2x4096xf32, #tpu.memory_space<vmem>>, vector<16xf32>,
        tpu.vector_store %arg7[%parallel_loop3A_286, %parallel_loop3A_287], %parallel_loop3A_284 {strides = array<i32>} : memref<2x4096xf32, #tpu.memory_space<vmem>>, vector<16xf32>,
      } {sc.loop_unroll_factor = 2 : i64, sc.parallel_access}
      %jit3A_89 = arith.constant 2 : i32
      %eq3A_90 = arith.constant 0 : i32
      %eq3A_91 = arith.cmpi eq, %jit3A_89, %eq3A_90 : i32
      %jit3A_92 = arith.constant 1 : i32
      %select_n3A_93 = arith.select %eq3A_91, %jit3A_92, %jit3A_89 : i32
      %rem3A = arith.remsi %scan3A_81, %select_n3A_93 : i32
      %ne3A = arith.constant 0 : i32
      %ne3A_94 = arith.cmpi ne, %rem3A, %ne3A : i32
      %lt3A = arith.constant 0 : i32
      %lt3A_95 = arith.cmpi slt, %rem3A, %lt3A : i32
      %lt3A_96 = arith.constant 0 : i32
      %lt3A_97 = arith.cmpi slt, %select_n3A_93, %lt3A_96 : i32
      %ne3A_98 = arith.xori %lt3A_95, %lt3A_97 : i1
      %and3A_99 = arith.andi %ne3A_98, %ne3A_94 : i1
      %add3A_100 = arith.addi %rem3A, %select_n3A_93 : i32
      %select_n3A_101 = arith.select %and3A_99, %add3A_100, %rem3A : i32
      "tpu.region"() ({
        %run_scoped3A = tpu.sem_alloc : memref<!tpu.dma_semaphore, #tpu.memory_space<semaphore_mem>>
        %dma_start3A = arith.constant 0 : i32
        %dma_start3A_115 = arith.constant 0 : i32
        %dma_start3A_116 = tpu.memref_slice %arg10[%select_n3A_101, %arg1, %dma_start3A, %dma_start3A_115] : memref<2x16x2x4096xf32, #tpu.memory_space<vmem_shared>> -> memref<1x1x2x4096xf32, #tpu.memory_space<vmem_shared>>
        %dma_start3A_117 = tpu.memref_squeeze %dma_start3A_116 : memref<1x1x2x4096xf32, #tpu.memory_space<vmem_shared>> -> memref<2x4096xf32, #tpu.memory_space<vmem_shared>>
        %dma_start3A_118 = arith.constant 0 : i32
        %dma_start3A_119 = arith.constant 0 : i32
        %dma_start3A_120 = tpu.memref_slice %arg10[%select_n3A_101, %arg1, %dma_start3A_118, %dma_start3A_119] : memref<2x16x2x4096xf32, #tpu.memory_space<vmem_shared>> -> memref<1x1x2x4096xf32, #tpu.memory_space<vmem_shared>>
        %dma_start3A_121 = tpu.memref_squeeze %dma_start3A_120 : memref<1x1x2x4096xf32, #tpu.memory_space<vmem_shared>> -> memref<2x4096xf32, #tpu.memory_space<vmem_shared>>
        tpu.enqueue_dma source(%arg7 : memref<2x4096xf32, #tpu.memory_space<vmem>>) target(%dma_start3A_121 : memref<2x4096xf32, #tpu.memory_space<vmem_shared>>) target_semaphore(%run_scoped3A : memref<!tpu.dma_semaphore, #tpu.memory_space<semaphore_mem>>)
        %dma_wait3A = arith.constant 0 : i32
        %dma_wait3A_122 = arith.constant 0 : i32
        %dma_wait3A_123 = tpu.memref_slice %arg10[%select_n3A_101, %arg1, %dma_wait3A, %dma_wait3A_122] : memref<2x16x2x4096xf32, #tpu.memory_space<vmem_shared>> -> memref<1x1x2x4096xf32, #tpu.memory_space<vmem_shared>>
        %dma_wait3A_124 = tpu.memref_squeeze %dma_wait3A_123 : memref<1x1x2x4096xf32, #tpu.memory_space<vmem_shared>> -> memref<2x4096xf32, #tpu.memory_space<vmem_shared>>
        %dma_wait3A_125 = arith.constant 0 : i32
        %dma_wait3A_126 = arith.constant 0 : i32
        %dma_wait3A_127 = tpu.memref_slice %arg10[%select_n3A_101, %arg1, %dma_wait3A_125, %dma_wait3A_126] : memref<2x16x2x4096xf32, #tpu.memory_space<vmem_shared>> -> memref<1x1x2x4096xf32, #tpu.memory_space<vmem_shared>>
        %dma_wait3A_128 = tpu.memref_squeeze %dma_wait3A_127 : memref<1x1x2x4096xf32, #tpu.memory_space<vmem_shared>> -> memref<2x4096xf32, #tpu.memory_space<vmem_shared>>
        tpu.wait_dma2 semaphore(%run_scoped3A : memref<!tpu.dma_semaphore, #tpu.memory_space<semaphore_mem>>) src(%arg7 : memref<2x4096xf32, #tpu.memory_space<vmem>>) dst(%dma_wait3A_128 : memref<2x4096xf32, #tpu.memory_space<vmem_shared>>)
        tpu.yield
      }) : () -> ()
      %barrier3A = arith.constant 0 : index
      tpu.barrier barrier_id(%barrier3A)
      %mul3A_102 = arith.constant 256 : i32
      %mul3A_103 = arith.muli %arg1, %mul3A_102 : i32
      "tpu.region"() ({
        %run_scoped3A = tpu.sem_alloc : memref<!tpu.dma_semaphore, #tpu.memory_space<semaphore_mem>>
        %dma_start3A = arith.constant 0 : i32
        %dma_start3A_115 = arith.constant 0 : i32
        %dma_start3A_116 = tpu.memref_slice %arg10[%select_n3A_101, %dma_start3A, %dma_start3A_115, %mul3A_103] : memref<2x16x2x4096xf32, #tpu.memory_space<vmem_shared>> -> memref<1x16x2x256xf32, #tpu.memory_space<vmem_shared>>
        %dma_start3A_117 = tpu.memref_squeeze %dma_start3A_116 : memref<1x16x2x256xf32, #tpu.memory_space<vmem_shared>> -> memref<16x2x256xf32, #tpu.memory_space<vmem_shared>>
        %dma_start3A_118 = arith.constant 0 : i32
        %dma_start3A_119 = arith.constant 0 : i32
        %dma_start3A_120 = tpu.memref_slice %arg10[%select_n3A_101, %dma_start3A_118, %dma_start3A_119, %mul3A_103] : memref<2x16x2x4096xf32, #tpu.memory_space<vmem_shared>> -> memref<1x16x2x256xf32, #tpu.memory_space<vmem_shared>>
        %dma_start3A_121 = tpu.memref_squeeze %dma_start3A_120 : memref<1x16x2x256xf32, #tpu.memory_space<vmem_shared>> -> memref<16x2x256xf32, #tpu.memory_space<vmem_shared>>
        tpu.enqueue_dma source(%dma_start3A_121 : memref<16x2x256xf32, #tpu.memory_space<vmem_shared>>) target(%arg8 : memref<16x2x256xf32, #tpu.memory_space<vmem>>) target_semaphore(%run_scoped3A : memref<!tpu.dma_semaphore, #tpu.memory_space<semaphore_mem>>)
        %dma_wait3A = arith.constant 0 : i32
        %dma_wait3A_122 = arith.constant 0 : i32
        %dma_wait3A_123 = tpu.memref_slice %arg10[%select_n3A_101, %dma_wait3A, %dma_wait3A_122, %mul3A_103] : memref<2x16x2x4096xf32, #tpu.memory_space<vmem_shared>> -> memref<1x16x2x256xf32, #tpu.memory_space<vmem_shared>>
        %dma_wait3A_124 = tpu.memref_squeeze %dma_wait3A_123 : memref<1x16x2x256xf32, #tpu.memory_space<vmem_shared>> -> memref<16x2x256xf32, #tpu.memory_space<vmem_shared>>
        %dma_wait3A_125 = arith.constant 0 : i32
        %dma_wait3A_126 = arith.constant 0 : i32
        %dma_wait3A_127 = tpu.memref_slice %arg10[%select_n3A_101, %dma_wait3A_125, %dma_wait3A_126, %mul3A_103] : memref<2x16x2x4096xf32, #tpu.memory_space<vmem_shared>> -> memref<1x16x2x256xf32, #tpu.memory_space<vmem_shared>>
        %dma_wait3A_128 = tpu.memref_squeeze %dma_wait3A_127 : memref<1x16x2x256xf32, #tpu.memory_space<vmem_shared>> -> memref<16x2x256xf32, #tpu.memory_space<vmem_shared>>
        tpu.wait_dma2 semaphore(%run_scoped3A : memref<!tpu.dma_semaphore, #tpu.memory_space<semaphore_mem>>) src(%dma_wait3A_128 : memref<16x2x256xf32, #tpu.memory_space<vmem_shared>>) dst(%arg8 : memref<16x2x256xf32, #tpu.memory_space<vmem>>)
        tpu.yield
      }) : () -> ()
      %scan3A_104 = arith.constant 0 : i32
      %scan3A_105 = arith.constant 0 : i32
      %scan3A_106 = arith.constant 256 : i32
      %scan3A_107 = arith.addi %scan3A_105, %scan3A_106 : i32
      %scan3A_108 = arith.constant 2 : i32
      scf.for %scan3A_115 = %scan3A_105 to %scan3A_107 step %scan3A_108  : i32 {
        %broadcast_in_dim3A_116 = vector.broadcast %scan3A_115 : i32 to vector<16xi32>
        %gather3A = tpu.vector_load_idx %arg8[%shift_right_arithmetic3A_70, %and3A_74, %broadcast_in_dim3A_116] : memref<16x2x256xf32, #tpu.memory_space<vmem>>[vector<16xi32>, vector<16xi32>, vector<16xi32>], vector<16xf32>,
        %gather3A_117 = tpu.vector_load_idx %arg8[%add3A_72, %and3A_74, %broadcast_in_dim3A_116] : memref<16x2x256xf32, #tpu.memory_space<vmem>>[vector<16xi32>, vector<16xi32>, vector<16xi32>], vector<16xf32>,
        %mul3A_118 = arith.constant 32 : i32
        %mul3A_119 = arith.muli %scan3A_115, %mul3A_118 : i32
        %swap3A = arith.index_cast %mul3A_119 : i32 to index
        %swap3A_120 = tpu.vector_load %arg9[%swap3A] {strides = array<i32>} : memref<8192xf32, #tpu.memory_space<vmem>>, vector<16xf32>,
        tpu.vector_store %arg9[%swap3A], %gather3A {strides = array<i32>} : memref<8192xf32, #tpu.memory_space<vmem>>, vector<16xf32>,
        %mul3A_121 = arith.constant 32 : i32
        %mul3A_122 = arith.muli %scan3A_115, %mul3A_121 : i32
        %add3A_123 = arith.constant 16 : i32
        %add3A_124 = arith.addi %mul3A_122, %add3A_123 : i32
        %swap3A_125 = arith.index_cast %add3A_124 : i32 to index
        %swap3A_126 = tpu.vector_load %arg9[%swap3A_125] {strides = array<i32>} : memref<8192xf32, #tpu.memory_space<vmem>>, vector<16xf32>,
        tpu.vector_store %arg9[%swap3A_125], %gather3A_117 {strides = array<i32>} : memref<8192xf32, #tpu.memory_space<vmem>>, vector<16xf32>,
        %scan3A_127 = arith.constant 1 : i32
        %scan3A_128 = arith.addi %scan3A_115, %scan3A_127 : i32
        %broadcast_in_dim3A_129 = vector.broadcast %scan3A_128 : i32 to vector<16xi32>
        %gather3A_130 = tpu.vector_load_idx %arg8[%shift_right_arithmetic3A_70, %and3A_74, %broadcast_in_dim3A_129] : memref<16x2x256xf32, #tpu.memory_space<vmem>>[vector<16xi32>, vector<16xi32>, vector<16xi32>], vector<16xf32>,
        %gather3A_131 = tpu.vector_load_idx %arg8[%add3A_72, %and3A_74, %broadcast_in_dim3A_129] : memref<16x2x256xf32, #tpu.memory_space<vmem>>[vector<16xi32>, vector<16xi32>, vector<16xi32>], vector<16xf32>,
        %mul3A_132 = arith.constant 32 : i32
        %mul3A_133 = arith.muli %scan3A_128, %mul3A_132 : i32
        %swap3A_134 = arith.index_cast %mul3A_133 : i32 to index
        %swap3A_135 = tpu.vector_load %arg9[%swap3A_134] {strides = array<i32>} : memref<8192xf32, #tpu.memory_space<vmem>>, vector<16xf32>,
        tpu.vector_store %arg9[%swap3A_134], %gather3A_130 {strides = array<i32>} : memref<8192xf32, #tpu.memory_space<vmem>>, vector<16xf32>,
        %mul3A_136 = arith.constant 32 : i32
        %mul3A_137 = arith.muli %scan3A_128, %mul3A_136 : i32
        %add3A_138 = arith.constant 16 : i32
        %add3A_139 = arith.addi %mul3A_137, %add3A_138 : i32
        %swap3A_140 = arith.index_cast %add3A_139 : i32 to index
        %swap3A_141 = tpu.vector_load %arg9[%swap3A_140] {strides = array<i32>} : memref<8192xf32, #tpu.memory_space<vmem>>, vector<16xf32>,
        tpu.vector_store %arg9[%swap3A_140], %gather3A_131 {strides = array<i32>} : memref<8192xf32, #tpu.memory_space<vmem>>, vector<16xf32>,
      }
      %scan3A_109 = arith.constant 256 : i32
      %mul3A_110 = arith.constant 256 : i32
      %mul3A_111 = arith.muli %arg1, %mul3A_110 : i32
      %add3A_112 = arith.addi %add3A_86, %mul3A_111 : i32
      %mul3A_113 = arith.constant 32 : i32
      %mul3A_114 = arith.muli %add3A_112, %mul3A_113 : i32
      "tpu.region"() ({
        %run_scoped3A = tpu.sem_alloc : memref<!tpu.dma_semaphore, #tpu.memory_space<semaphore_mem>>
        %dma_start3A = tpu.memref_slice %arg4[%mul3A_114] : memref<33554432xf32, #tpu.memory_space<hbm>> -> memref<8192xf32, #tpu.memory_space<hbm>>
        %dma_start3A_115 = tpu.memref_slice %arg4[%mul3A_114] : memref<33554432xf32, #tpu.memory_space<hbm>> -> memref<8192xf32, #tpu.memory_space<hbm>>
        tpu.enqueue_dma source(%arg9 : memref<8192xf32, #tpu.memory_space<vmem>>) target(%dma_start3A_115 : memref<8192xf32, #tpu.memory_space<hbm>>) target_semaphore(%run_scoped3A : memref<!tpu.dma_semaphore, #tpu.memory_space<semaphore_mem>>)
        %dma_wait3A = tpu.memref_slice %arg4[%mul3A_114] : memref<33554432xf32, #tpu.memory_space<hbm>> -> memref<8192xf32, #tpu.memory_space<hbm>>
        %dma_wait3A_116 = tpu.memref_slice %arg4[%mul3A_114] : memref<33554432xf32, #tpu.memory_space<hbm>> -> memref<8192xf32, #tpu.memory_space<hbm>>
        tpu.wait_dma2 semaphore(%run_scoped3A : memref<!tpu.dma_semaphore, #tpu.memory_space<semaphore_mem>>) src(%arg9 : memref<8192xf32, #tpu.memory_space<vmem>>) dst(%dma_wait3A_116 : memref<8192xf32, #tpu.memory_space<hbm>>)
        tpu.yield
      }) : () -> ()
    }
    %scan3A_80 = arith.constant 128 : i32
    return
  }
}

</mosaic_0001>

<sc_bundles>
// kernel: _hash_grid_encode.3.cloned.1.call-start
scs
__scs_entry_jumppad:
0x0: {  	(pc) =	sbr.rel $0x88, $3  }
0x1: {  	(tag) =	ssettag $0x0;
	lr =	simm.s32 $0x1  }
0x2: {  	[smem:$0x3F9F] =	sst lr;
	_ =	strace $0xD0000000  }
0x3: {  	_ = 	snop  }
0x4: {  	_ = 	snop  }
0x5: {  	_ = 	snop  }
0x6: {  	_ = 	snop  }
0x7: {  	_ = 	snop  }
__scs_overlays_trampoline_lowered:
0x8: {  	[smem:$0x3FAE] =	sst s0  }
0x9: {  	[smem:$0x3FAF] =	sst s1  }
0xa: {  	[smem:$0x3FB0] =	sst s2  }
0xb: {  	[smem:$0x3FB1] =	sst s3  }
0xc: {  	[smem:$0x3FB2] =	sst s4  }
0xd: {  	[smem:$0x3FB3] =	sst s5  }
0xe: {  	[smem:$0x3FB4] =	sst s6  }
0xf: {  	[smem:$0x3FB5] =	sst s7  }
0x10: {  	[smem:$0x3FB6] =	sst s8  }
0x11: {  	[smem:$0x3FB7] =	sst s9;
	s0 =	simm.s32 @!p0 $0x0  }
0x12: {  	s1 =	sld [smem:$0x3F9D];
	s0 =	simm.s32 @p0 $0x1  }
0x13: {  	[smem:$0x3FB8] =	sst s0;
	s0 =	simm.s32 @!p1 $0x0  }
0x14: {  	s2 =	sld [smem:$0x3F9C];
	s0 =	simm.s32 @p1 $0x1  }
0x15: {  	[smem:$0x3FB9] =	sst s0;
	s0 =	simm.s32 @!p2 $0x0  }
0x16: {  	s3 =	sld [smem:$0x3FDB];
	s0 =	simm.s32 @p2 $0x1  }
0x17: {  	s4 =	simm.s32 $0x1BF5;
	[smem:$0x3FBB] =	sst s0  }
0x18: {  	s0 =	sld [smem:$0x3F9E];
	_ =	swait.ge [sflag:s4], $0x0  }
0x19: {  	s7 =	sld [smem:$0x3F9F]  }
0x1a: {  	s8 =	sadd.s32 $0xFFFFE003, lr  }
0x1b: {  	s9 =	sadd.s32 $0xFFFFFEF7, lr;
	s5 =	simm.s32 $0xFFFFFFFF;
	p2 =	slt.u32 s8, $0xFFFFF086  }
0x1c: {  	p1 =	slt.u32 s9, $0xF7A;
	s5 =	simm.s32 @!p2 $0x0  }
0x1d: {  	s5 =	simm.s32 @p1 $0x1;
	p0 =	seq.s32 s7, s2  }
0x1e: {  	s7 =	smul.u32 @!p0 $0xF7A, s2;
	p2 =	seq.s32 @!p0 s5, $0x0  }
0x1f: {  	s9 =	smul.u32 $0xF7A, s1;
	s8 =	simm.s32 @!p0 $0x1BF5;
	p2 =	por !p2, p0  }
0x20: {  	[sflag:s8] =	ssyncset.s32 @!p0 $0xFFFFF086;
	s6 =	sadd.s32 @!p0 s3, s7;
	s7 =	simm.s32 @!p0 $0x108  }
0x21: {  	s3 =	sadd.s32 s3, s9;
	s6 =	sadd.s32 @!p0 $0x88, s6;
	s7 =	simm.s32 @p2 $0x1082  }
0x22: {  	[simem:s7], [sflag:s8] =	dma.local @!p0 [hbm:s6], $0xF7A  }
0x23: {  	s9 =	sor.u32 $0xD0000000, s2;
	s6 =	simm.s32 $0x108;
	_ =	swait.ge @!p0 [sflag:s8], $0x0  }
0x24: {  	s3 =	sadd.s32 $0x88, s3;
	s6 =	simm.s32 @!p1 $0x1082;
	[sflag:s4] =	ssyncset.s32 $0xFFFFF086  }
0x25: {  	[simem:s6], [sflag:s4] =	dma.local [hbm:s3], $0xF7A  }
0x26: {  	[smem:$0x3F9F] =	sst s1;
	(tag) =	ssettag s2;
	_ =	strace s9  }
0x27: {  	s1 =	sld [smem:$0x3FAF]  }
0x28: {  	s2 =	sld [smem:$0x3FB0]  }
0x29: {  	s4 =	sld [smem:$0x3FB2]  }
0x2a: {  	p0 =	seq.s32 s5, $0x0;
	s5 =	sld [smem:$0x3FB3]  }
0x2b: {  	s6 =	sld [smem:$0x3FB4]  }
0x2c: {  	s7 =	sld [smem:$0x3FB5]  }
0x2d: {  	s3 =	simm.s32 $0x108;
	s8 =	sld [smem:$0x3FB6]  }
0x2e: {  	s3 =	simm.s32 @!p0 $0x1082;
	s9 =	sld [smem:$0x3FB7]  }
0x2f: {  	lr =	sadd.s32 s0, s3;
	s0 =	sld [smem:$0x3FAE]  }
0x30: {  	s3 =	sld [smem:$0x3FB1]  }
0x31: {  	[smem:$0x3FBA] =	sst s10  }
0x32: {  	s10 =	sld [smem:$0x3FB8];
	_ =	sdelay $0x3  }
0x33: {  	p0 =	seq.s32 s10, $0x1;
	s10 =	sld [smem:$0x3FBA];
	_ =	sdelay $0x3  }
0x34: {  	[smem:$0x3FBA] =	sst s10  }
0x35: {  	s10 =	sld [smem:$0x3FB9];
	_ =	sdelay $0x3  }
0x36: {  	p1 =	seq.s32 s10, $0x1;
	s10 =	sld [smem:$0x3FBA];
	_ =	sdelay $0x3  }
0x37: {  	[smem:$0x3FBA] =	sst s10  }
0x38: {  	s10 =	sld [smem:$0x3FBB]  }
0x39: {  	_ = 	snop;
	(pc) =	sbr.ind lr, $3  }
0x3a: {  	_ = 	snop  }
0x3b: {  	_ = 	snop  }
0x3c: {  	p2 =	seq.s32 s10, $0x1;
	s10 =	sld [smem:$0x3FBA]  }
0x3d: {  	_ =	shalt  }
0x3e: {  	_ =	shalt  }
0x3f: {  	_ =	shalt  }
0x40: {  	_ =	shalt  }
0x41: {  	_ =	shalt  }
0x42: {  	_ =	shalt  }
0x43: {  	_ =	shalt  }
0x44: {  	_ =	shalt  }
0x45: {  	_ =	shalt  }
0x46: {  	_ =	shalt  }
0x47: {  	_ =	shalt  }
0x48: {  	_ =	shalt  }
0x49: {  	_ =	shalt  }
0x4a: {  	_ =	shalt  }
0x4b: {  	_ =	shalt  }
0x4c: {  	_ =	shalt  }
0x4d: {  	_ =	shalt  }
0x4e: {  	_ =	shalt  }
0x4f: {  	_ =	shalt  }
0x50: {  	_ =	shalt  }
0x51: {  	_ =	shalt  }
0x52: {  	_ =	shalt  }
0x53: {  	_ =	shalt  }
0x54: {  	_ =	shalt  }
0x55: {  	_ =	shalt  }
0x56: {  	_ =	shalt  }
0x57: {  	_ =	shalt  }
0x58: {  	_ =	shalt  }
0x59: {  	_ =	shalt  }
0x5a: {  	_ =	shalt  }
0x5b: {  	_ =	shalt  }
0x5c: {  	_ =	shalt  }
0x5d: {  	_ =	shalt  }
0x5e: {  	_ =	shalt  }
0x5f: {  	_ =	shalt  }
0x60: {  	_ =	shalt  }
0x61: {  	_ =	shalt  }
0x62: {  	_ =	shalt  }
0x63: {  	_ =	shalt  }
0x64: {  	_ =	shalt  }
0x65: {  	_ =	shalt  }
0x66: {  	_ =	shalt  }
0x67: {  	_ =	shalt  }
0x68: {  	_ =	shalt  }
0x69: {  	_ =	shalt  }
0x6a: {  	_ =	shalt  }
0x6b: {  	_ =	shalt  }
0x6c: {  	_ =	shalt  }
0x6d: {  	_ =	shalt  }
0x6e: {  	_ =	shalt  }
0x6f: {  	_ =	shalt  }
0x70: {  	_ =	shalt  }
0x71: {  	_ =	shalt  }
0x72: {  	_ =	shalt  }
0x73: {  	_ =	shalt  }
0x74: {  	_ =	shalt  }
0x75: {  	_ =	shalt  }
0x76: {  	_ =	shalt  }
0x77: {  	_ =	shalt  }
0x78: {  	_ =	shalt  }
0x79: {  	_ =	shalt  }
0x7a: {  	_ =	shalt  }
0x7b: {  	_ =	shalt  }
0x7c: {  	_ =	shalt  }
0x7d: {  	_ =	shalt  }
0x7e: {  	_ =	shalt  }
0x7f: {  	_ =	shalt  }
0x80: {  	_ =	shalt  }
0x81: {  	_ =	shalt  }
0x82: {  	_ =	shalt  }
0x83: {  	_ =	shalt  }
0x84: {  	_ =	shalt  }
0x85: {  	_ =	shalt  }
0x86: {  	_ =	shalt  }
0x87: {  	_ =	shalt  }
.Lfunc_end0:
.L_simem_size_0:
called_computation_lowered:
.L_overlay_start_0:
0x88: {  	s2 =	sld [smem:$0x3FD9]  }
0x89: {  	s3 =	sld [smem:$0x3FFE];
	_ =	sdelay $0x1  }
0x8a: {  	s1 =	srdreg.scid  }
0x8b: {  	s0 =	sand.u32 $0x1, s1  }
0x8c: {  	s18 =	sshll.u32 s0, $0xA;
	s2 =	sadd.s32 s3, s2  }
0x8d: {  	s2 =	sadd.s32 s2, s18  }
0x8e: {  	[smem:$0x3FC6] =	sst s2  }
0x8f: {  	_ = 	snop  }
0x90: {  	s2 =	sld [smem:$0x3FC9]  }
0x91: {  	s19 =	sld [smem:$0x3FC8]  }
0x92: {  	s4 =	sld [smem:$0x3FD0];
	(tm) =	ssettm $0x1  }
0x93: {  	s5 =	sld [smem:$0x3FFB];
	_ =	sdelay $0x3  }
0x94: {  	_ =	strace s5  }
0x95: {  	s5 =	sld [smem:$0x3FFC];
	_ =	sdelay $0x3  }
0x96: {  	_ =	strace s5  }
0x97: {  	s5 =	sld [smem:$0x3FFD];
	_ =	sdelay $0x3  }
0x98: {  	_ =	strace s5  }
0x99: {  	_ =	strace $0x8FFFFFFF  }
0x9a: {  	s20 =	sld [smem:$0x3FDB];
	_ =	sdelay $0x1  }
0x9b: {  	s6 =	simm.s32 $_scs_section_size  }
0x9c: {  	s7 =	simm.s32 $_size__tile_overlayer_lowered;
	s8 =	simm.s32 $_tile_overlayer_lowered  }
0x9d: {  	s23 =	simm.s32 $0x1BFF;
	s22 =	sshll.u32 s8, $0x1;
	s5 =	sadd.s32 s6, s20  }
0x9e: {  	s9 =	simm.s32 $0x0;
	s21 =	sshll.u32 s7, $0x1;
	s7 =	sadd.s32 s22, s5  }
0x9f: {  	[timem:s9], [sflag:s23] =	dma.local [hbm:s7], s21  }
0xa0: {  	_ =	swait.ge [sflag:s23], s21  }
0xa1: {  	s6 =	ssub.s32 $0x0, s21;
	[sflag:s23] =	ssyncset.done $0x0  }
0xa2: {  	[sflag:s23] =	ssyncadd.s32 s6;
	_ =	sdelay $0x1  }
0xa3: {  	s24 =	simm.s32 $0x1B8B  }
0xa4: {  	_ =	swait.ge [sflag:s24], $0x1  }
0xa5: {  	[sflag:s24] =	ssyncset.done $0x0  }
0xa6: {  	s25 =	simm.s32 $0x1B8E;
	[sflag:s24] =	ssyncadd.s32 $0xFFFFFFFF  }
0xa7: {  	s26 =	simm.s32 $execute0_lowered;
	[smem:$0x3FD2] =	sst s25  }
0xa8: {  	s6 =	sshll.u32 s26, $0x1;
	_ =	strace $0x80000046;
	[dreg:$0x1] =	wrdreg $0xFFFFFFFF  }
0xa9: {  	s28 =	simm.s32 $_size_execute0_lowered;
	s5 =	sadd.s32 s5, s6;
	[dreg:$0x0] =	wrdreg $0x0  }
0xaa: {  	s6 =	sshll.u32 s28, $0x1;
	[dreg:$0x2] =	wrdreg s5  }
0xab: {  	[dreg:$0x3] =	wrdreg s6  }
0xac: {  	[dreg:$0x4] =	wrdreg $0xC0  }
0xad: {  	_ =	task [dreg:s9], $0x5FFFF  }
0xae: {  	[dreg:$0x1] =	wrdreg $0xFFFFFFFF  }
0xaf: {  	[dreg:$0x0] =	wrdreg $0x60  }
0xb0: {  	[dreg:$0x2] =	wrdreg s2  }
0xb1: {  	[dreg:$0x3] =	wrdreg s19  }
0xb2: {  	[dreg:$0x4] =	wrdreg s4  }
0xb3: {  	[dreg:$0x5] =	wrdreg $0x1A0000  }
0xb4: {  	[dreg:$0x6] =	wrdreg $0x9  }
0xb5: {  	_ =	task.clear_ibuf [dreg:s9], $0x7FFFF;
	_ =	strace $0x90000046  }
0xb6: {  	s29 =	simm.s32 $0x9;
	_ =	strace $0x80000048  }
0xb7: {  	_ =	swait.ge [sflag:s29], $0x1  }
0xb8: {  	[sflag:s29] =	ssyncadd.s32 $0xFFFFFFFF  }
0xb9: {  	_ =	strace $0x90000048  }
0xba: {  	_ =	sfence  }
0xbb: {  	s30 =	sld [smem:$0x0];
	_ =	sdelay $0x2  }
0xbc: {  	s31 =	sshll.u32 s1, $0xD;
	s1 =	sshrl.u32 s1, $0x2  }
0xbd: {  	s3 =	sand.u32 $0x4000, s31;
	s1 =	sadd.s32 s1, s30  }
0xbe: {  	s0 =	sor.u32 s3, s0;
	s1 =	sshll.u32 s1, $0x11  }
0xbf: {  	s0 =	sor.u32 s1, s0  }
0xc0: {  	s0 =	sadd.s32 $0x8F2B, s0  }
0xc1: {  	[sflag:s0] =	ssyncadd.remote.s32 $0x1  }
0xc2: {  	_ =	sfence.sel $0xFFFF  }
0xc3: {  	[dreg:$0x0] =	wrdreg $0xFFFFFFFF;
	(pc) =	sbr.abs _section_cstart, $3  }
0xc4: {  	[dreg:$0x1] =	wrdreg $0xFFFFFFFF  }
0xc5: {  	_ =	task.clear_ibuf [dreg:s9], $0x2FFFF;
	_ =	strace $0x9FFFFFFF  }
0xc6: {  	(tm) =	ssettm $0x7FFFFFFF  }
0xc7: {  	_ =	shalt  }
tec
execute0_lowered:
.L_overlay_start_1:
0x0: {  	(tag) =	ssettag $0x1  }
0x1: {  	s2 =	rddreg [dreg:$0x1]  }
0x2: {  	s0 =	stileid.u32;
	s1 =	simm.f32 $1.000000000e+01;
	s8 =	rddreg [dreg:$0x2]  }
0x3: {  	s3 =	rddreg [dreg:$0x3];
	s5 =	srdreg.scid;
	s4 =	simm.s32 $0x0  }
0x4: {  	s11 =	simm.s32 $0x400;
	s12 =	simm.s32 $0x18000;
	s13 =	simm.s32 $0x1  }
0x5: {  	s14 =	simm.s32 $0x10000;
	s16 =	simm.s32 $0x14000;
	s18 =	simm.s32 $0x200  }
0x6: {  	s19 =	simm.s32 $0x2000;
	s20 =	simm.s32 $0x16000;
	p0 =	seq.s32 s0, $0x1  }
0x7: {  	v1 =	vlaneseq.u32;
	v2 =	vimm.s32 $0xE80;
	vm0 =	vcmask $0x300;
	s21 =	simm.s32 $0x0;
	s1 =	simm.s32 @!p0 $0x41000000;
	p0 =	seq.s32 s0, $0x2  }
0x8: {  	v3 =	vimm.s32 $0x1E80;
	vm1 =	vcmask $0x704;
	vm15 =	vcmask $0xB08;
	s7 =	sand.u32 $0x1, s5;
	s1 =	simm.s32 @p0 $0x41480000;
	p0 =	seq.s32 s0, $0x3  }
0x9: {  	vm4 =	vcmask $0xF0C;
	v2 =	vsel vm0, $0x0, v2;
	v3 =	vsel vm0, $0x1000, v3;
	[smem:$0x7FF] =	sst s4;
	s1 =	simm.s32 @p0 $0x41800000;
	p0 =	seq.s32 s0, $0x4  }
0xa: {  	vm5 =	vcmask $0x1310;
	s6 =	sshll.u32 s0, $0x4;
	v2 =	vsel vm1, $0x80, v2;
	v3 =	vsel vm1, $0x1080, v3;
	s1 =	simm.s32 @p0 $0x41A00000;
	p0 =	seq.s32 s0, $0x5  }
0xb: {  	vm6 =	vcmask $0x1714;
	s30 =	sshll.u32 s0, $0xF;
	v2 =	vsel vm15, $0x200, v2;
	v3 =	vsel vm15, $0x1200, v3;
	s1 =	simm.s32 @p0 $0x41C80000;
	p0 =	seq.s32 s0, $0x6  }
0xc: {  	vm7 =	vcmask $0x1B18;
	s10 =	sshll.u32 s0, $0xA;
	v2 =	vsel vm4, $0x280, v2;
	v3 =	vsel vm4, $0x1280, v3;
	s1 =	simm.s32 @p0 $0x42000000;
	p0 =	seq.s32 s0, $0x7  }
0xd: {  	vm8 =	vcmask $0x1F1C;
	s17 =	sshll.u32 s0, $0xB;
	v2 =	vsel vm5, $0x400, v2;
	v3 =	vsel vm5, $0x1400, v3;
	s1 =	simm.s32 @p0 $0x42200000;
	p0 =	seq.s32 s0, $0x8  }
0xe: {  	vm9 =	vcmask $0x2320;
	s5 =	ssub.s32 $0x2, s7;
	v2 =	vsel vm6, $0x480, v2;
	v3 =	vsel vm6, $0x1480, v3;
	s1 =	simm.s32 @p0 $0x424A0000;
	p0 =	seq.s32 s0, $0x9  }
0xf: {  	vm10 =	vcmask $0x2724;
	s6 =	sand.u32 $0x70, s6;
	v2 =	vsel vm7, $0x600, v2;
	v3 =	vsel vm7, $0x1600, v3;
	s1 =	simm.s32 @p0 $0x42800000;
	p0 =	seq.s32 s0, $0xA  }
0x10: {  	vm11 =	vcmask $0x2B28;
	s7 =	sshll.u32 s7, $0x13;
	v2 =	vsel vm8, $0x680, v2;
	v3 =	vsel vm8, $0x1680, v3;
	s1 =	simm.s32 @p0 $0x42A10000;
	p0 =	seq.s32 s0, $0xB  }
0x11: {  	vm12 =	vcmask $0x2F2C;
	s8 =	sadd.s32 s8, s10;
	v2 =	vsel vm9, $0x800, v2;
	v3 =	vsel vm9, $0x1800, v3;
	s1 =	simm.s32 @p0 $0x42CB0000;
	p0 =	seq.s32 s0, $0xC  }
0x12: {  	vm13 =	vcmask $0x3330;
	s10 =	simm.s32 $0x80;
	v2 =	vsel vm10, $0x880, v2;
	v3 =	vsel vm10, $0x1880, v3;
	s1 =	simm.s32 @p0 $0x43000000;
	p0 =	seq.s32 s0, $0xD  }
0x13: {  	vm14 =	vcmask $0x3734;
	s15 =	sshrl.u32 s30, $0x2;
	v2 =	vsel vm11, $0xA00, v2;
	v3 =	vsel vm11, $0x1A00, v3;
	s1 =	simm.s32 @p0 $0x43210000;
	p0 =	seq.s32 s0, $0xE  }
0x14: {  	v1 =	vmul.u32 $0x2, v1;
	s9 =	sshrl.u32 s5, $0x1;
	v2 =	vsel vm12, $0xA80, v2;
	v3 =	vsel vm12, $0x1A80, v3;
	s1 =	simm.s32 @p0 $0x434B0000;
	p0 =	seq.s32 s0, $0xF  }
0x15: {  	s17 =	sshrl.u32 s17, $0x2;
	vm15 =	vcmask $0x3B38;
	s9 =	ssub.s32 s5, s9;
	v2 =	vsel vm13, $0xC00, v2;
	v3 =	vsel vm13, $0x1C00, v3;
	s1 =	simm.s32 @p0 $0x43800000  }
0x16: {  	s6 =	sadd.s32 s2, s6;
	s31 =	smax.u32 s9, $0x1;
	v4 =	vsel vm14, $0xC80, v2;
	v5 =	vsel vm14, $0x1C80, v3;
	v0 =	vmov s1;
	s1 =	rddreg [dreg:$0x0]  }
0x17: {  	s5 =	sand.u32 $0x8, s0;
	v2 =	vor.u32 $0x1, v1;
	v3 =	vsel vm15, $0xE00, v4;
	v4 =	vsel vm15, $0x1E00, v5;
	_ =	strace $0x80000047;
	[dreg:$0x5] =	wrdreg s31  }
.LBB2_1:
0x18: {  	s2 =	simm.s32 $0x0  }
.LBB2_2:
0x19: {  	s22 =	sadd.s32 s5, s2  }
0x1a: {  	s23 =	simm.s32 $0x0;
	s22 =	sshll.u32 s22, $0xD  }
0x1b: {  	v5 =	vor.u32 s23, v1;
	s22 =	sadd.s32 s22, s6  }
0x1c: {  	[tilespmem:s12], [sflag:$0x1] =	stream.strided.gather [hbm4b:s22+s10], $0x2000, s11, s10, $0x38;
	[tilespmem:$0x1E000] =	vst v63  }
0x1d: {  	_ =	swait.ge [sflag:s13], $0x2000  }
0x1e: {  	[sflag:s13] =	ssyncset.done $0x0  }
0x1f: {  	[sflag:s13] =	ssyncadd.s32 $0xFFFFE000  }
0x20: {  	v5 =	vld.idx.msk [tilespmem:v5+s12+$0x0], $0xffff  }
0x21: {  	s26 =	sshll.u32 s2, $0xE;
	s24 =	simm.s32 $0x0;
	v6 =	vor.u32 s23, v2  }
0x22: {  	s25 =	sand.u32 $0xF80, s24;
	s22 =	sshra.s32 s26, $0x2  }
0x23: {  	s24 =	sand.u32 $0x60, s24;
	s30 =	sadd.s32 s25, s22  }
0x24: {  	s23 =	sadd.s32 s24, s30  }
0x25: {  	[tilespmem:s23+$0x0] =	vst v5  }
0x26: {  	s26 =	simm.s32 $0x20;
	v5 =	vld.idx.msk [tilespmem:v6+s12+$0x0], $0xffff  }
0x27: {  	v6 =	vor.u32 s26, v1  }
0x28: {  	s23 =	sadd.s32 $0x8000, s22  }
0x29: {  	s25 =	sadd.s32 s25, s23  }
0x2a: {  	s24 =	sadd.s32 s24, s25  }
0x2b: {  	[tilespmem:s24+$0x0] =	vst v5  }
0x2c: {  	v5 =	vld.idx.msk [tilespmem:v6+s12+$0x0], $0xffff  }
0x2d: {  	s24 =	simm.s32 $0x10;
	v6 =	vor.u32 s26, v2  }
0x2e: {  	s29 =	sand.u32 $0xF80, s24  }
0x2f: {  	s28 =	sand.u32 $0x70, s24;
	s31 =	sadd.s32 s29, s22  }
0x30: {  	s25 =	sadd.s32 s28, s31  }
0x31: {  	[tilespmem:s25+$0x0] =	vst v5  }
0x32: {  	s26 =	simm.s32 $0x60;
	s25 =	simm.s32 $0x0;
	v5 =	vld.idx.msk [tilespmem:v6+s12+$0x0], $0xffff  }
.LBB2_3:
0x33: {  	s30 =	sadd.s32 $0xFFFFFFE0, s26;
	s25 =	sadd.s32 $0x2, s25  }
0x34: {  	v6 =	vor.u32 s30, v1;
	p0 =	slt.u32 s25, $0xFE;
	_ =	sdelay $0x1  }
0x35: {  	s29 =	sadd.s32 s29, s23  }
0x36: {  	s28 =	sadd.s32 s28, s29  }
0x37: {  	[tilespmem:s28+$0x0] =	vst v5  }
0x38: {  	v5 =	vld.idx.msk [tilespmem:v6+s12+$0x0], $0xffff  }
0x39: {  	s24 =	sadd.s32 $0x20, s24  }
0x3a: {  	s28 =	sadd.s32 $0xFFFFFFF0, s24;
	v6 =	vor.u32 s30, v2  }
0x3b: {  	s29 =	sand.u32 $0xF80, s28  }
0x3c: {  	s28 =	sand.u32 $0x60, s28;
	s30 =	sadd.s32 s29, s22  }
0x3d: {  	s30 =	sadd.s32 s28, s30  }
0x3e: {  	[tilespmem:s30+$0x0] =	vst v5  }
0x3f: {  	v5 =	vld.idx.msk [tilespmem:v6+s12+$0x0], $0xffff;
	_ =	sdelay $0x1  }
0x40: {  	v6 =	vor.u32 s26, v1;
	_ =	sdelay $0x1  }
0x41: {  	s29 =	sadd.s32 s29, s23  }
0x42: {  	s28 =	sadd.s32 s28, s29  }
0x43: {  	[tilespmem:s28+$0x0] =	vst v5  }
0x44: {  	v5 =	vld.idx.msk [tilespmem:v6+s12+$0x0], $0xffff;
	_ =	sdelay $0x1  }
0x45: {  	v6 =	vor.u32 s26, v2  }
.Ltmp0:
0x46: {  	s29 =	sand.u32 $0xF80, s24;
	(pc) =	sbr.rel @p0 .LBB2_3-.Ltmp0, $4  }
0x47: {  	s30 =	sadd.s32 s29, s22;
	s28 =	sand.u32 $0x70, s24  }
0x48: {  	s30 =	sadd.s32 s28, s30  }
0x49: {  	[tilespmem:s30+$0x0] =	vst v5  }
0x4a: {  	s26 =	sadd.s32 $0x40, s26;
	v5 =	vld.idx.msk [tilespmem:v6+s12+$0x0], $0xffff  }
0x4b: {  	s2 =	sadd.s32 $0x1, s2  }
0x4c: {  	p0 =	sne.s32 s2, $0x8  }
.Ltmp1:
0x4d: {  	_ = 	snop;
	(pc) =	sbr.rel @p0 .LBB2_2-.Ltmp1, $4  }
0x4e: {  	_ = 	snop  }
0x4f: {  	s22 =	sadd.s32 s29, s23  }
0x50: {  	s22 =	sadd.s32 s28, s22  }
0x51: {  	[tilespmem:s22+$0x0] =	vst v5;
	s22 =	simm.s32 $0x0  }
0x52: {  	s23 =	simm.s32 $0x0  }
.LBB2_6:
0x53: {  	s2 =	sshll.u32 s23, $0xC  }
0x54: {  	s24 =	sadd.s32 s7, s2  }
0x55: {  	s2 =	sshrl.u32 s24, $0x1  }
0x56: {  	s25 =	simm.s32 $0x0;
	s2 =	sadd.s32 s1, s2  }
0x57: {  	[tilespmem:s14], [sflag:$0x1] =	stream.linear.gather [hbm4b:s2+s22], $0x4000, $0x38;
	[tilespmem:$0x1E000] =	vst v63  }
0x58: {  	s26 =	sand.u32 $0x60, s22;
	s2 =	sand.u32 $0x3FFFFE00, s25;
	_ =	swait.ge [sflag:s13], $0x4000  }
0x59: {  	s28 =	sor.u32 $0x10, s26;
	s2 =	sadd.s32 $0x10000, s2;
	[sflag:s13] =	ssyncset.done $0x0  }
0x5a: {  	s25 =	sor.u32 s28, s2;
	[sflag:s13] =	ssyncadd.s32 $0xFFFFC000  }
0x5b: {  	v5 =	vld [tilespmem:s25+$0x0]  }
0x5c: {  	v6 =	vld [tilespmem:s25+$0x80]  }
0x5d: {  	s2 =	sor.u32 s26, s2;
	v7 =	vld [tilespmem:s25+$0x100]  }
0x5e: {  	v8 =	vld [tilespmem:s2+$0x80]  }
0x5f: {  	v9 =	vld [tilespmem:s2+$0x100];
	_ =	sdelay $0x2  }
0x60: {  	v5 =	vadd.f32 $1.000000000e+00, v5  }
0x61: {  	v6 =	vadd.f32 $1.000000000e+00, v6;
	v7 =	vadd.f32 $1.000000000e+00, v7  }
0x62: {  	v8 =	vadd.f32 $1.000000000e+00, v8;
	v9 =	vadd.f32 $1.000000000e+00, v9;
	v5 =	vmul.f32 v5, v0  }
0x63: {  	v6 =	vmul.f32 v6, v0;
	v7 =	vmul.f32 v7, v0  }
0x64: {  	v8 =	vmul.f32 v8, v0;
	v26 =	vmul.f32 v9, v0  }
0x65: {  	v10 =	vtrunc.f32 v5;
	v11 =	vtrunc.f32 v6  }
0x66: {  	v12 =	vtrunc.f32 v7;
	v29 =	vtrunc.f32 v8  }
0x67: {  	v33 =	vtrunc.f32 v26;
	v10 =	vcvt.f32.s32 v10  }
0x68: {  	v11 =	vcvt.f32.s32 v11;
	v12 =	vcvt.f32.s32 v12  }
0x69: {  	v29 =	vcvt.f32.s32 v29;
	v13 =	vcvt.s32.f32 v10  }
0x6a: {  	v14 =	vcvt.s32.f32 v11;
	v15 =	vcvt.s32.f32 v12  }
0x6b: {  	v12 =	vmul.u32 $0x30025795, v12;
	v11 =	vmul.u32 $0x9E3779B1, v11;
	v5 =	vsub.f32 v5, v13  }
0x6c: {  	v49 =	vcvt.f32.s32 v33;
	v6 =	vsub.f32 v6, v14;
	v13 =	vsub.f32 v7, v15  }
0x6d: {  	v14 =	vadd.s32 $0x1, v10;
	v7 =	vadd.s32 $0x30025795, v12;
	v16 =	vxor.u32 v11, v12  }
0x6e: {  	v15 =	vadd.s32 $0x9E3779B1, v11;
	v11 =	vxor.u32 v11, v7;
	v17 =	vxor.u32 v10, v16  }
0x6f: {  	v16 =	vxor.u32 v14, v16;
	v12 =	vxor.u32 v12, v15;
	v15 =	vxor.u32 v15, v7  }
0x70: {  	v17 =	vand.u32 $0x7FFF, v17;
	v18 =	vxor.u32 v10, v12;
	v7 =	vand.u32 $0x7FFF, v16  }
0x71: {  	v12 =	vxor.u32 v14, v12;
	v20 =	vxor.u32 v10, v11;
	v16 =	vor.u32 $0x8000, v17  }
0x72: {  	v11 =	vxor.u32 v14, v11;
	v10 =	vxor.u32 v10, v15;
	v19 =	vor.u32 $0x8000, v7  }
0x73: {  	v14 =	vxor.u32 v14, v15;
	v28 =	vsub.f32 $1.000000000e+00, v5;
	v18 =	vand.u32 $0x7FFF, v18  }
0x74: {  	v15 =	vld [tilespmem:s2+$0x0];
	v9 =	vmul.f32 v13, v6;
	v30 =	vsub.f32 $1.000000000e+00, v6;
	v21 =	vand.u32 $0x7FFF, v12  }
0x75: {  	v31 =	vsub.f32 $1.000000000e+00, v13;
	v20 =	vand.u32 $0x7FFF, v20;
	v12 =	vor.u32 $0x8000, v18;
	v17 =	vld.idx.msk [tilespmem:v17+s4+$0x0], $0xffff  }
0x76: {  	v11 =	vand.u32 $0x7FFF, v11;
	v24 =	vand.u32 $0x7FFF, v10;
	v22 =	vor.u32 $0x8000, v21;
	v16 =	vld.idx.msk [tilespmem:v16+s4+$0x0], $0xffff  }
0x77: {  	v14 =	vand.u32 $0x7FFF, v14;
	v23 =	vor.u32 $0x8000, v20;
	v25 =	vor.u32 $0x8000, v11;
	v19 =	vld.idx.msk [tilespmem:v19+s4+$0x0], $0xffff  }
0x78: {  	v27 =	vor.u32 $0x8000, v24;
	v35 =	vmul.f32 v31, v30;
	v6 =	vmul.f32 v31, v6;
	v18 =	vld.idx.msk [tilespmem:v18+s4+$0x0], $0xffff  }
0x79: {  	v10 =	vmul.f32 v9, v28;
	v30 =	vmul.f32 v13, v30;
	v15 =	vadd.f32 $1.000000000e+00, v15;
	v21 =	vld.idx.msk [tilespmem:v21+s4+$0x0], $0xffff  }
0x7a: {  	v34 =	vor.u32 $0x8000, v14;
	v13 =	vmul.f32 v35, v28;
	v31 =	vmul.f32 v6, v28;
	v32 =	vld.idx.msk [tilespmem:v12+s4+$0x0], $0xffff  }
0x7b: {  	v48 =	vmul.f32 v6, v5;
	v22 =	vld.idx.msk [tilespmem:v22+s4+$0x0], $0xffff;
	v15 =	vmul.f32 v15, v0  }
0x7c: {  	v28 =	vmul.f32 v30, v28;
	v12 =	vmul.f32 v9, v5;
	v23 =	vld.idx.msk [tilespmem:v23+s4+$0x0], $0xffff  }
0x7d: {  	v25 =	vld.idx.msk [tilespmem:v25+s4+$0x0], $0xffff;
	v9 =	vmul.f32 v35, v5;
	v50 =	vtrunc.f32 v15  }
0x7e: {  	v30 =	vmul.f32 v30, v5;
	v27 =	vld.idx.msk [tilespmem:v27+s4+$0x0], $0xffff;
	v33 =	vcvt.f32.s32 v50  }
0x7f: {  	v5 =	vld.idx.msk [tilespmem:v34+s4+$0x0], $0xffff;
	v6 =	vmul.f32 v16, v13;
	v16 =	vmul.f32 v19, v9  }
0x80: {  	v52 =	vld.idx.msk [tilespmem:v24+s4+$0x0], $0xffff;
	v18 =	vmul.f32 v31, v18;
	v21 =	vmul.f32 v48, v21  }
0x81: {  	v14 =	vld.idx.msk [tilespmem:v14+s4+$0x0], $0xffff;
	v13 =	vmul.f32 v13, v17;
	v19 =	vmul.f32 v32, v31  }
0x82: {  	v22 =	vmul.f32 v22, v48;
	v23 =	vmul.f32 v23, v28  }
0x83: {  	v25 =	vmul.f32 v25, v30;
	v27 =	vmul.f32 v27, v10  }
0x84: {  	v5 =	vmul.f32 v5, v12;
	v32 =	vcvt.s32.f32 v49  }
0x85: {  	v36 =	vadd.s32 $0x1, v33;
	v40 =	vcvt.s32.f32 v33;
	v10 =	vmul.f32 v52, v10  }
0x86: {  	s31 =	simm.s32 $0x80;
	s25 =	simm.s32 $0x20;
	v12 =	vmul.f32 v14, v12;
	v6 =	vadd.f32 v16, v6;
	v16 =	vmul.u32 $0x9E3779B1, v29  }
0x87: {  	s29 =	sand.u32 $0x60, s25;
	s2 =	sand.u32 $0x3FFFFE00, s31;
	v18 =	vadd.f32 v21, v18;
	v19 =	vadd.f32 v22, v19;
	v22 =	vmul.u32 $0x30025795, v49  }
0x88: {  	s0 =	sor.u32 $0x10, s29;
	s30 =	sadd.s32 $0x10000, s2;
	v23 =	vadd.f32 v25, v23;
	v5 =	vadd.f32 v5, v27;
	v25 =	vadd.s32 $0x9E3779B1, v16  }
0x89: {  	s31 =	sor.u32 s0, s30;
	v27 =	vcvt.s32.f32 v29;
	v26 =	vsub.f32 v26, v32;
	v29 =	vxor.u32 v22, v25  }
0x8a: {  	v62 =	vld [tilespmem:s31+$0x0];
	v15 =	vsub.f32 v15, v40;
	v51 =	vadd.s32 $0x30025795, v22;
	v37 =	vxor.u32 v33, v29  }
0x8b: {  	v48 =	vld [tilespmem:s31+$0x100];
	v38 =	vxor.u32 v16, v51;
	v29 =	vxor.u32 v36, v29;
	v37 =	vand.u32 $0x7FFF, v37  }
0x8c: {  	v6 =	vadd.f32 v19, v6;
	v19 =	vld.idx.msk [tilespmem:v20+s4+$0x0], $0xffff;
	v20 =	vxor.u32 v33, v38;
	v29 =	vand.u32 $0x7FFF, v29  }
0x8d: {  	v39 =	vld.idx.msk [tilespmem:v11+s4+$0x0], $0xffff;
	v8 =	vsub.f32 v8, v27;
	v55 =	vsub.f32 $1.000000000e+00, v26;
	v20 =	vand.u32 $0x7FFF, v20  }
0x8e: {  	v49 =	vld.idx.msk [tilespmem:v7+s4+$0x0], $0xffff;
	v5 =	vadd.f32 v5, v23;
	v11 =	vxor.u32 v25, v51;
	v53 =	vor.u32 $0x8000, v37  }
0x8f: {  	v63 =	vld [tilespmem:s31+$0x80];
	v45 =	vsub.f32 $1.000000000e+00, v15;
	v25 =	vxor.u32 v33, v11;
	v27 =	vor.u32 $0x8000, v29  }
0x90: {  	v52 =	vadd.f32 $1.000000000e+00, v48;
	v11 =	vxor.u32 v36, v11;
	v25 =	vand.u32 $0x7FFF, v25;
	v37 =	vld.idx.msk [tilespmem:v37+s4+$0x0], $0xffff  }
0x91: {  	v24 =	vxor.u32 v36, v38;
	v43 =	vsub.f32 $1.000000000e+00, v8;
	v42 =	vand.u32 $0x7FFF, v11;
	v29 =	vld.idx.msk [tilespmem:v29+s4+$0x0], $0xffff  }
0x92: {  	v23 =	vmul.f32 v26, v8;
	v54 =	vand.u32 $0x7FFF, v24;
	v24 =	vor.u32 $0x8000, v20;
	v20 =	vld.idx.msk [tilespmem:v20+s4+$0x0], $0xffff  }
0x93: {  	v8 =	vmul.f32 v55, v8;
	v9 =	vmul.f32 v9, v49;
	v11 =	vor.u32 $0x8000, v25;
	v38 =	vld.idx.msk [tilespmem:v53+s4+$0x0], $0xffff  }
0x94: {  	v21 =	vmul.f32 v52, v0;
	v41 =	vor.u32 $0x8000, v54;
	v26 =	vmul.f32 v26, v43;
	v27 =	vld.idx.msk [tilespmem:v27+s4+$0x0], $0xffff  }
0x95: {  	v44 =	vor.u32 $0x8000, v42;
	v43 =	vmul.f32 v55, v43;
	v47 =	vmul.f32 v23, v15;
	v60 =	vld.idx.msk [tilespmem:v25+s4+$0x0], $0xffff  }
0x96: {  	v58 =	vmul.f32 v23, v45;
	v19 =	vmul.f32 v28, v19;
	v61 =	vld.idx.msk [tilespmem:v42+s4+$0x0], $0xffff  }
0x97: {  	v50 =	vadd.f32 $1.000000000e+00, v63;
	v46 =	vmul.f32 v26, v15;
	v26 =	vmul.f32 v26, v45;
	v56 =	vld.idx.msk [tilespmem:v24+s4+$0x0], $0xffff  }
0x98: {  	v57 =	vld.idx.msk [tilespmem:v11+s4+$0x0], $0xffff;
	v11 =	vxor.u32 v16, v22;
	v16 =	vmul.f32 v8, v45;
	v8 =	vmul.f32 v8, v15  }
0x99: {  	v41 =	vld.idx.msk [tilespmem:v41+s4+$0x0], $0xffff;
	v24 =	vadd.f32 v5, v6;
	v6 =	vmul.f32 v43, v45;
	v5 =	vmul.f32 v43, v15  }
0x9a: {  	v13 =	vadd.f32 v9, v13;
	v15 =	vld.idx.msk [tilespmem:v44+s4+$0x0], $0xffff;
	v59 =	vmul.f32 v16, v37;
	v29 =	vmul.f32 v8, v29  }
0x9b: {  	v10 =	vadd.f32 v12, v10;
	v32 =	vld.idx.msk [tilespmem:v54+s4+$0x0], $0xffff;
	v20 =	vmul.f32 v26, v20;
	v16 =	vmul.f32 v38, v16  }
0x9c: {  	v13 =	vadd.f32 v18, v13;
	v27 =	vmul.f32 v27, v8;
	v28 =	vmul.f32 v60, v58  }
0x9d: {  	v22 =	vxor.u32 v33, v11;
	v14 =	vmul.f32 v61, v47;
	v26 =	vmul.f32 v56, v26  }
0x9e: {  	v23 =	vxor.u32 v36, v11;
	v31 =	vmul.f32 v41, v46;
	v45 =	vmul.f32 v57, v58  }
0x9f: {  	s30 =	sor.u32 s29, s30;
	v8 =	vadd.f32 v29, v59;
	v15 =	vmul.f32 v15, v47;
	v29 =	vadd.f32 $1.000000000e+00, v62  }
0xa0: {  	v7 =	vadd.f32 v27, v16;
	v27 =	vmul.f32 v30, v39;
	v16 =	vmul.f32 v46, v32;
	v30 =	vld [tilespmem:s30+$0x80]  }
0xa1: {  	v51 =	vld [tilespmem:s30+$0x100];
	v17 =	vmul.f32 v29, v0;
	v26 =	vadd.f32 v31, v26;
	v29 =	vmul.f32 v50, v0  }
0xa2: {  	v32 =	vadd.f32 v15, v45;
	v34 =	vadd.f32 v16, v20;
	v16 =	vtrunc.f32 v21  }
0xa3: {  	v27 =	vadd.f32 v27, v19;
	v31 =	vtrunc.f32 v17;
	v15 =	vtrunc.f32 v29  }
0xa4: {  	v28 =	vadd.f32 v14, v28;
	v31 =	vcvt.f32.s32 v31;
	v15 =	vcvt.f32.s32 v15  }
0xa5: {  	v16 =	vcvt.f32.s32 v16;
	v27 =	vadd.f32 v10, v27;
	v20 =	vadd.f32 $1.000000000e+00, v30  }
0xa6: {  	v30 =	vadd.f32 $1.000000000e+00, v51;
	v14 =	vcvt.s32.f32 v31;
	v53 =	vcvt.s32.f32 v15  }
0xa7: {  	v35 =	vmul.f32 v20, v0;
	v20 =	vcvt.s32.f32 v16;
	v16 =	vmul.u32 $0x30025795, v16  }
0xa8: {  	v30 =	vmul.f32 v30, v0;
	v36 =	vsub.f32 v17, v14;
	v14 =	vmul.u32 $0x9E3779B1, v15  }
0xa9: {  	v15 =	vsub.f32 v29, v53;
	v17 =	vadd.s32 $0x1, v31;
	v20 =	vsub.f32 v21, v20  }
0xaa: {  	v21 =	vadd.s32 $0x30025795, v16;
	v52 =	vtrunc.f32 v35;
	v54 =	vxor.u32 v14, v16  }
0xab: {  	v29 =	vadd.s32 $0x9E3779B1, v14;
	v14 =	vxor.u32 v14, v21;
	v55 =	vxor.u32 v31, v54  }
0xac: {  	v33 =	vxor.u32 v17, v54;
	v16 =	vxor.u32 v16, v29;
	v21 =	vxor.u32 v29, v21  }
0xad: {  	v59 =	vxor.u32 v31, v14;
	v14 =	vxor.u32 v17, v14;
	v29 =	vand.u32 $0x7FFF, v55  }
0xae: {  	v56 =	vxor.u32 v31, v16;
	v33 =	vand.u32 $0x7FFF, v33;
	v57 =	vor.u32 $0x8000, v29  }
0xaf: {  	v16 =	vxor.u32 v17, v16;
	v40 =	vand.u32 $0x7FFF, v59;
	v58 =	vor.u32 $0x8000, v33  }
0xb0: {  	v31 =	vxor.u32 v31, v21;
	v44 =	vand.u32 $0x7FFF, v14;
	v14 =	vor.u32 $0x8000, v40  }
0xb1: {  	v17 =	vxor.u32 v17, v21;
	v37 =	vand.u32 $0x7FFF, v56;
	v21 =	vor.u32 $0x8000, v44  }
0xb2: {  	v61 =	vld [tilespmem:s30+$0x0];
	v48 =	vsub.f32 $1.000000000e+00, v15;
	v41 =	vand.u32 $0x7FFF, v16;
	v16 =	vor.u32 $0x8000, v37  }
0xb3: {  	v49 =	vsub.f32 $1.000000000e+00, v20;
	v31 =	vand.u32 $0x7FFF, v31;
	v60 =	vor.u32 $0x8000, v41;
	v38 =	vld.idx.msk [tilespmem:v57+s4+$0x0], $0xffff  }
0xb4: {  	v53 =	vtrunc.f32 v30;
	v45 =	vand.u32 $0x7FFF, v17;
	v62 =	vor.u32 $0x8000, v31;
	v39 =	vld.idx.msk [tilespmem:v58+s4+$0x0], $0xffff  }
0xb5: {  	v17 =	vmul.f32 v20, v15;
	v54 =	vmul.f32 v49, v48;
	v51 =	vor.u32 $0x8000, v45;
	v55 =	vld.idx.msk [tilespmem:v14+s4+$0x0], $0xffff  }
0xb6: {  	v63 =	vsub.f32 $1.000000000e+00, v36;
	v19 =	vmul.f32 v49, v15;
	v48 =	vmul.f32 v20, v48;
	v12 =	vld.idx.msk [tilespmem:v21+s4+$0x0], $0xffff  }
0xb7: {  	v49 =	vadd.f32 v27, v13;
	v27 =	vcvt.f32.s32 v52;
	v15 =	vmul.f32 v54, v36;
	v50 =	vld.idx.msk [tilespmem:v16+s4+$0x0], $0xffff  }
0xb8: {  	v20 =	vmul.f32 v19, v36;
	v18 =	vmul.f32 v48, v36;
	v42 =	vld.idx.msk [tilespmem:v60+s4+$0x0], $0xffff  }
0xb9: {  	v11 =	vand.u32 $0x7FFF, v22;
	v59 =	vcvt.s32.f32 v27;
	v14 =	vmul.f32 v54, v63;
	v46 =	vld.idx.msk [tilespmem:v62+s4+$0x0], $0xffff  }
0xba: {  	v9 =	vadd.f32 v32, v26;
	v21 =	vmul.f32 v19, v63;
	v19 =	vmul.f32 v48, v63;
	v26 =	vld.idx.msk [tilespmem:v51+s4+$0x0], $0xffff  }
0xbb: {  	v22 =	vand.u32 $0x7FFF, v23;
	v16 =	vmul.f32 v17, v63;
	v17 =	vmul.f32 v17, v36  }
0xbc: {  	v23 =	vor.u32 $0x8000, v11;
	v47 =	vmul.f32 v38, v14;
	v54 =	vmul.f32 v39, v15  }
0xbd: {  	v25 =	vor.u32 $0x8000, v22;
	v57 =	vmul.f32 v55, v19;
	v12 =	vmul.f32 v12, v18  }
0xbe: {  	v10 =	vadd.f32 v28, v34;
	v56 =	vmul.f32 v50, v21;
	v28 =	vmul.f32 v42, v20  }
0xbf: {  	v43 =	vadd.f32 $1.000000000e+00, v61;
	v13 =	vmul.f32 v46, v16;
	v26 =	vmul.f32 v26, v17  }
0xc0: {  	v58 =	vcvt.f32.s32 v53;
	v32 =	vadd.f32 v54, v47;
	v12 =	vadd.f32 v12, v57  }
0xc1: {  	v34 =	vmul.f32 v43, v0;
	v28 =	vadd.f32 v28, v56;
	v26 =	vadd.f32 v26, v13  }
0xc2: {  	v35 =	vsub.f32 v35, v59;
	v39 =	vld.idx.msk [tilespmem:v23+s4+$0x0], $0xffff;
	v23 =	vmul.u32 $0x9E3779B1, v27;
	v27 =	vmul.u32 $0x30025795, v58  }
0xc3: {  	v13 =	vld.idx.msk [tilespmem:v25+s4+$0x0], $0xffff;
	v28 =	vadd.f32 v28, v32;
	v25 =	vadd.f32 v26, v12;
	v26 =	vtrunc.f32 v34  }
0xc4: {  	v60 =	vcvt.s32.f32 v58;
	v12 =	vld.idx.msk [tilespmem:v11+s4+$0x0], $0xffff;
	v62 =	vcvt.f32.s32 v26;
	v26 =	vadd.s32 $0x30025795, v27  }
0xc5: {  	v61 =	vadd.s32 $0x9E3779B1, v23;
	v11 =	vld.idx.msk [tilespmem:v22+s4+$0x0], $0xffff;
	v51 =	vadd.f32 v25, v28;
	v25 =	vxor.u32 v23, v26  }
0xc6: {  	v22 =	vld.idx.msk [tilespmem:v29+s4+$0x0], $0xffff;
	v28 =	vxor.u32 v27, v61;
	v29 =	vxor.u32 v61, v26;
	v27 =	vxor.u32 v23, v27  }
0xc7: {  	v31 =	vld.idx.msk [tilespmem:v31+s4+$0x0], $0xffff;
	v63 =	vadd.s32 $0x1, v62;
	v52 =	vxor.u32 v62, v28;
	v54 =	vxor.u32 v62, v25  }
0xc8: {  	v32 =	vld.idx.msk [tilespmem:v45+s4+$0x0], $0xffff;
	v55 =	vxor.u32 v62, v27;
	v56 =	vxor.u32 v62, v29;
	v59 =	vcvt.s32.f32 v62  }
0xc9: {  	v23 =	vld.idx.msk [tilespmem:v33+s4+$0x0], $0xffff;
	v62 =	vsub.f32 $1.000000000e+00, v35;
	v53 =	vxor.u32 v63, v28;
	v58 =	vand.u32 $0x7FFF, v52  }
0xca: {  	v26 =	vld.idx.msk [tilespmem:v41+s4+$0x0], $0xffff;
	v25 =	vxor.u32 v63, v25;
	v57 =	vxor.u32 v63, v29;
	v46 =	vand.u32 $0x7FFF, v54  }
0xcb: {  	v29 =	vld.idx.msk [tilespmem:v40+s4+$0x0], $0xffff;
	v40 =	vsub.f32 v30, v60;
	v36 =	vxor.u32 v63, v27;
	v43 =	vand.u32 $0x7FFF, v53  }
0xcc: {  	v28 =	vld.idx.msk [tilespmem:v37+s4+$0x0], $0xffff;
	v33 =	vand.u32 $0x7FFF, v56;
	v38 =	vand.u32 $0x7FFF, v25;
	v50 =	vor.u32 $0x8000, v58  }
0xcd: {  	v30 =	vld.idx.msk [tilespmem:v44+s4+$0x0], $0xffff;
	v25 =	vand.u32 $0x7FFF, v36;
	v37 =	vand.u32 $0x7FFF, v57;
	v60 =	vor.u32 $0x8000, v46  }
0xce: {  	s30 =	simm.s32 $0x0;
	v56 =	vsub.f32 v34, v59;
	v45 =	vor.u32 $0x8000, v33;
	v36 =	vor.u32 $0x8000, v43;
	v42 =	vld.idx.msk [tilespmem:v58+s4+$0x0], $0xffff  }
0xcf: {  	s30 =	sand.u32 $0x3FFFFF00, s30;
	v61 =	vor.u32 $0x8000, v38;
	v63 =	vsub.f32 $1.000000000e+00, v40;
	v52 =	vmul.f32 v40, v62;
	v44 =	vld.idx.msk [tilespmem:v46+s4+$0x0], $0xffff  }
0xd0: {  	s9 =	simm.s32 $0x40;
	s30 =	sadd.s32 $0x14000, s30;
	v47 =	vmul.f32 v40, v35;
	v40 =	vmul.f32 v39, v6;
	v53 =	vsub.f32 $1.000000000e+00, v56;
	v43 =	vld.idx.msk [tilespmem:v43+s4+$0x0], $0xffff  }
0xd1: {  	s31 =	sand.u32 $0x3FFFFF00, s9;
	s28 =	sor.u32 s28, s30;
	v57 =	vmul.f32 v63, v62;
	v41 =	vmul.f32 v52, v56;
	v46 =	vor.u32 $0x8000, v37;
	v50 =	vld.idx.msk [tilespmem:v50+s4+$0x0], $0xffff  }
0xd2: {  	s31 =	sadd.s32 $0x14000, s31;
	[tilespmem:s28+$0x0] =	vst v49;
	v27 =	vand.u32 $0x7FFF, v55;
	v39 =	vmul.f32 v47, v56;
	v58 =	vmul.f32 v63, v35;
	v49 =	vld.idx.msk [tilespmem:v60+s4+$0x0], $0xffff  }
0xd3: {  	[tilespmem:s28+$0x80] =	vst v24;
	s28 =	sor.u32 s0, s31;
	v34 =	vor.u32 $0x8000, v27;
	v24 =	vmul.f32 v57, v53;
	v35 =	vmul.f32 v57, v56;
	v48 =	vld.idx.msk [tilespmem:v36+s4+$0x0], $0xffff  }
0xd4: {  	s29 =	sor.u32 s29, s31;
	s26 =	sor.u32 s26, s30;
	s30 =	simm.s32 $0x2;
	[tilespmem:s28+$0x80] =	vst v51;
	v36 =	vor.u32 $0x8000, v25;
	v51 =	vld.idx.msk [tilespmem:v61+s4+$0x0], $0xffff;
	v55 =	vmul.f32 v58, v53;
	v54 =	vmul.f32 v58, v56  }
.LBB2_7:
0xd5: {  	s30 =	sadd.s32 $0x2, s30;
	v45 =	vld.idx.msk [tilespmem:v45+s4+$0x0], $0xffff;
	v52 =	vmul.f32 v52, v53;
	v47 =	vmul.f32 v47, v53  }
0xd6: {  	s25 =	sadd.s32 $0x20, s25;
	s2 =	sshll.u32 s30, $0x6;
	p0 =	slt.u32 s30, $0xFE;
	v46 =	vld.idx.msk [tilespmem:v46+s4+$0x0], $0xffff;
	v42 =	vmul.f32 v55, v42;
	v43 =	vmul.f32 v54, v43  }
0xd7: {  	s31 =	sand.u32 $0x60, s25;
	v50 =	vmul.f32 v50, v55;
	s2 =	sand.u32 $0x3FFFFE00, s2;
	v38 =	vld.idx.msk [tilespmem:v38+s4+$0x0], $0xffff;
	v44 =	vmul.f32 v52, v44  }
0xd8: {  	v13 =	vmul.f32 v13, v5;
	s0 =	sadd.s32 $0x10000, s2;
	s2 =	sor.u32 $0x10, s31;
	v53 =	vld.idx.msk [tilespmem:v33+s4+$0x0], $0xffff;
	v33 =	vadd.f32 v43, v42;
	v42 =	vmul.f32 v48, v54  }
0xd9: {  	v28 =	vmul.f32 v21, v28;
	v43 =	vmul.f32 v49, v52;
	s9 =	sor.u32 s31, s0;
	s0 =	sor.u32 s2, s0;
	v37 =	vld.idx.msk [tilespmem:v37+s4+$0x0], $0xffff  }
0xda: {  	v20 =	vmul.f32 v20, v26;
	v49 =	vmul.f32 v51, v41;
	v48 =	vld [tilespmem:s0+$0x0];
	v21 =	vadd.f32 v42, v50  }
0xdb: {  	v29 =	vmul.f32 v19, v29;
	v40 =	vadd.f32 v13, v40;
	v42 =	vmul.f32 v45, v47;
	v26 =	vld [tilespmem:s0+$0x80]  }
0xdc: {  	v30 =	vmul.f32 v18, v30;
	v45 =	vmul.f32 v46, v39;
	v19 =	vadd.f32 v49, v43;
	v13 =	vld [tilespmem:s0+$0x100]  }
0xdd: {  	v16 =	vmul.f32 v31, v16;
	v18 =	vadd.f32 v20, v28;
	v38 =	vmul.f32 v41, v38;
	v43 =	vld [tilespmem:s9+$0x80]  }
0xde: {  	v17 =	vmul.f32 v32, v17;
	v28 =	vmul.f32 v53, v47;
	v31 =	vadd.f32 v45, v42;
	v20 =	vld [tilespmem:s9+$0x100]  }
0xdf: {  	v37 =	vmul.f32 v37, v39;
	v38 =	vadd.f32 v38, v44;
	v39 =	vmul.f32 v6, v12;
	v6 =	vmovc v24;
	v32 =	vld [tilespmem:s9+$0x0]  }
0xe0: {  	v12 =	vadd.f32 $1.000000000e+00, v48;
	v26 =	vadd.f32 $1.000000000e+00, v26;
	v24 =	vld.idx.msk [tilespmem:v34+s4+$0x0], $0xffff;
	v34 =	vmul.f32 v5, v11;
	v5 =	vmovc v35  }
0xe1: {  	v14 =	vmul.f32 v14, v22;
	v15 =	vmul.f32 v15, v23;
	v11 =	vadd.f32 $1.000000000e+00, v13;
	v13 =	vld.idx.msk [tilespmem:v36+s4+$0x0], $0xffff  }
0xe2: {  	v23 =	vmul.f32 v12, v0;
	v22 =	vadd.f32 $1.000000000e+00, v43;
	v35 =	vmul.f32 v26, v0;
	v12 =	vld.idx.msk [tilespmem:v27+s4+$0x0], $0xffff  }
0xe3: {  	v28 =	vadd.f32 v37, v28;
	v20 =	vadd.f32 $1.000000000e+00, v20;
	v27 =	vmul.f32 v11, v0;
	v11 =	vld.idx.msk [tilespmem:v25+s4+$0x0], $0xffff  }
0xe4: {  	v25 =	vtrunc.f32 v23;
	v26 =	vadd.f32 $1.000000000e+00, v32;
	v32 =	vtrunc.f32 v35  }
0xe5: {  	v29 =	vadd.f32 v30, v29;
	v36 =	vcvt.f32.s32 v25;
	v25 =	vtrunc.f32 v27  }
0xe6: {  	v37 =	vadd.f32 v17, v16;
	v30 =	vcvt.f32.s32 v32;
	v32 =	vcvt.f32.s32 v25  }
0xe7: {  	v25 =	vmul.f32 v22, v0;
	v16 =	vcvt.s32.f32 v36;
	v22 =	vadd.f32 v34, v39  }
0xe8: {  	v39 =	vadd.f32 v15, v14;
	v17 =	vcvt.s32.f32 v30;
	v34 =	vcvt.s32.f32 v32  }
0xe9: {  	v14 =	vmul.u32 $0x9E3779B1, v30;
	v23 =	vsub.f32 v23, v16;
	v15 =	vmul.u32 $0x30025795, v32  }
0xea: {  	v16 =	vadd.s32 $0x1, v36;
	v30 =	vsub.f32 v35, v17;
	v27 =	vsub.f32 v27, v34  }
0xeb: {  	v17 =	vadd.s32 $0x9E3779B1, v14;
	v32 =	vadd.s32 $0x30025795, v15;
	v34 =	vxor.u32 v14, v15  }
0xec: {  	v14 =	vxor.u32 v14, v32;
	v35 =	vxor.u32 v36, v34;
	v34 =	vxor.u32 v16, v34  }
0xed: {  	v15 =	vxor.u32 v15, v17;
	v17 =	vxor.u32 v17, v32;
	v32 =	vand.u32 $0x7FFF, v35  }
0xee: {  	v35 =	vxor.u32 v36, v15;
	v34 =	vand.u32 $0x7FFF, v34;
	v41 =	vor.u32 $0x8000, v32  }
0xef: {  	v15 =	vxor.u32 v16, v15;
	v35 =	vand.u32 $0x7FFF, v35;
	v42 =	vor.u32 $0x8000, v34  }
0xf0: {  	v43 =	vxor.u32 v36, v14;
	v44 =	vand.u32 $0x7FFF, v15;
	v15 =	vor.u32 $0x8000, v35  }
0xf1: {  	v14 =	vxor.u32 v16, v14;
	v43 =	vand.u32 $0x7FFF, v43;
	v45 =	vor.u32 $0x8000, v44  }
0xf2: {  	v36 =	vxor.u32 v36, v17;
	v46 =	vand.u32 $0x7FFF, v14;
	v14 =	vor.u32 $0x8000, v43  }
0xf3: {  	v16 =	vxor.u32 v16, v17;
	v36 =	vand.u32 $0x7FFF, v36;
	v17 =	vor.u32 $0x8000, v46;
	v41 =	vld.idx.msk [tilespmem:v41+s4+$0x0], $0xffff  }
0xf4: {  	v47 =	vmul.f32 v20, v0;
	v48 =	vand.u32 $0x7FFF, v16;
	v20 =	vor.u32 $0x8000, v36;
	v42 =	vld.idx.msk [tilespmem:v42+s4+$0x0], $0xffff  }
0xf5: {  	v49 =	vsub.f32 $1.000000000e+00, v23;
	v50 =	vmul.f32 v27, v30;
	v51 =	vld.idx.msk [tilespmem:v15+s4+$0x0], $0xffff;
	v15 =	vor.u32 $0x8000, v48  }
0xf6: {  	v52 =	vtrunc.f32 v25;
	v53 =	vsub.f32 $1.000000000e+00, v30;
	v54 =	vsub.f32 $1.000000000e+00, v27;
	v45 =	vld.idx.msk [tilespmem:v45+s4+$0x0], $0xffff  }
0xf7: {  	v40 =	vadd.f32 v7, v40;
	v7 =	vmovc v21;
	v55 =	vtrunc.f32 v47;
	v16 =	vmul.f32 v50, v49;
	v56 =	vld.idx.msk [tilespmem:v14+s4+$0x0], $0xffff  }
0xf8: {  	v31 =	vadd.f32 v31, v19;
	v21 =	vmul.f32 v54, v53;
	v57 =	vld.idx.msk [tilespmem:v17+s4+$0x0], $0xffff;
	v17 =	vmul.f32 v50, v23  }
0xf9: {  	v22 =	vadd.f32 v8, v22;
	v27 =	vmul.f32 v27, v53;
	v19 =	vmul.f32 v54, v30;
	v30 =	vld.idx.msk [tilespmem:v20+s4+$0x0], $0xffff  }
0xfa: {  	v28 =	vadd.f32 v28, v38;
	v14 =	vmul.f32 v21, v49;
	v50 =	vld.idx.msk [tilespmem:v15+s4+$0x0], $0xffff;
	v15 =	vmul.f32 v21, v23  }
0xfb: {  	v38 =	vadd.f32 v18, v39;
	v8 =	vmovc v33;
	v20 =	vmul.f32 v19, v23;
	v21 =	vmul.f32 v19, v49  }
0xfc: {  	v18 =	vmul.f32 v27, v23;
	v19 =	vmul.f32 v27, v49;
	v23 =	vadd.f32 v37, v29  }
0xfd: {  	v33 =	vadd.f32 v9, v40;
	v9 =	vmovc v31;
	v27 =	vmul.f32 v41, v14;
	v29 =	vmul.f32 v42, v15  }
0xfe: {  	v22 =	vadd.f32 v10, v22;
	v10 =	vmovc v28;
	v37 =	vmul.f32 v45, v20;
	v31 =	vmul.f32 v51, v21  }
0xff: {  	v28 =	vmul.f32 v56, v19;
	v23 =	vadd.f32 v23, v38;
	v39 =	vmul.f32 v57, v18;
	[tilespmem:s26+$0x80] =	vst v33  }
0x100: {  	v30 =	vmul.f32 v30, v16;
	v33 =	vmul.f32 v50, v17;
	[tilespmem:s26+$0x0] =	vst v22;
	s26 =	smov.u32 s29  }
0x101: {  	v38 =	vcvt.f32.s32 v52;
	v27 =	vadd.f32 v29, v27;
	v29 =	vadd.f32 v37, v31;
	v22 =	vld.idx.msk [tilespmem:v32+s4+$0x0], $0xffff;
	[tilespmem:s28+$0x0] =	vst v23  }
0x102: {  	v31 =	vcvt.f32.s32 v55;
	v32 =	vadd.f32 v39, v28;
	v30 =	vadd.f32 v33, v30;
	v23 =	vld.idx.msk [tilespmem:v34+s4+$0x0], $0xffff  }
0x103: {  	v39 =	vmul.f32 v26, v0;
	v33 =	vcvt.s32.f32 v38;
	v34 =	vmul.u32 $0x9E3779B1, v38;
	v28 =	vld.idx.msk [tilespmem:v35+s4+$0x0], $0xffff  }
0x104: {  	s0 =	sshll.u32 s30, $0x5;
	v27 =	vadd.f32 v29, v27;
	v35 =	vmul.u32 $0x30025795, v31;
	v32 =	vadd.f32 v30, v32;
	v26 =	vld.idx.msk [tilespmem:v44+s4+$0x0], $0xffff  }
0x105: {  	s0 =	sand.u32 $0x3FFFFF00, s0;
	v37 =	vcvt.s32.f32 v31;
	v30 =	vtrunc.f32 v39;
	v31 =	vadd.s32 $0x9E3779B1, v34;
	v29 =	vld.idx.msk [tilespmem:v43+s4+$0x0], $0xffff  }
0x106: {  	s0 =	sadd.s32 $0x14000, s0;
	v38 =	vcvt.f32.s32 v30;
	v40 =	vadd.s32 $0x30025795, v35;
	v27 =	vadd.f32 v32, v27;
	v30 =	vld.idx.msk [tilespmem:v46+s4+$0x0], $0xffff  }
0x107: {  	s29 =	sor.u32 s31, s0;
	s28 =	sor.u32 s2, s0;
	v42 =	vxor.u32 v35, v31;
	v41 =	vxor.u32 v34, v40;
	v40 =	vxor.u32 v31, v40;
	v31 =	vld.idx.msk [tilespmem:v36+s4+$0x0], $0xffff  }
0x108: {  	v34 =	vxor.u32 v34, v35;
	v35 =	vxor.u32 v38, v42;
	v36 =	vadd.s32 $0x1, v38;
	v32 =	vld.idx.msk [tilespmem:v48+s4+$0x0], $0xffff;
	[tilespmem:s28+$0x80] =	vst v27  }
0x109: {  	v27 =	vxor.u32 v36, v42;
	v42 =	vxor.u32 v38, v41;
	v41 =	vxor.u32 v36, v41  }
0x10a: {  	v43 =	vxor.u32 v38, v34;
	v44 =	vxor.u32 v38, v40;
	v40 =	vxor.u32 v36, v40  }
0x10b: {  	v49 =	vsub.f32 v47, v37;
	v48 =	vsub.f32 v25, v33;
	v25 =	vxor.u32 v36, v34  }
0x10c: {  	v47 =	vcvt.s32.f32 v38;
	v34 =	vand.u32 $0x7FFF, v35;
	v35 =	vand.u32 $0x7FFF, v27  }
0x10d: {  	v33 =	vand.u32 $0x7FFF, v44;
	v50 =	vand.u32 $0x7FFF, v42;
	v38 =	vand.u32 $0x7FFF, v41  }
0x10e: {  	v27 =	vand.u32 $0x7FFF, v43;
	v25 =	vand.u32 $0x7FFF, v25;
	v37 =	vand.u32 $0x7FFF, v40  }
0x10f: {  	v41 =	vor.u32 $0x8000, v34;
	v51 =	vor.u32 $0x8000, v35;
	v54 =	vor.u32 $0x8000, v50  }
0x110: {  	v45 =	vor.u32 $0x8000, v33;
	v55 =	vor.u32 $0x8000, v38;
	v46 =	vor.u32 $0x8000, v37  }
0x111: {  	v56 =	vsub.f32 $1.000000000e+00, v48;
	v36 =	vor.u32 $0x8000, v25;
	v42 =	vld.idx.msk [tilespmem:v34+s4+$0x0], $0xffff;
	v34 =	vor.u32 $0x8000, v27  }
0x112: {  	v57 =	vsub.f32 v39, v47;
	v39 =	vsub.f32 $1.000000000e+00, v49;
	v47 =	vmul.f32 v49, v48;
	v43 =	vld.idx.msk [tilespmem:v35+s4+$0x0], $0xffff  }
.Ltmp2:
0x113: {  	v40 =	vmul.f32 v24, v6;
	v52 =	vmul.f32 v49, v56;
	v44 =	vld.idx.msk [tilespmem:v50+s4+$0x0], $0xffff;
	(pc) =	sbr.rel @p0 .LBB2_7-.Ltmp2, $4  }
0x114: {  	v53 =	vsub.f32 $1.000000000e+00, v57;
	v35 =	vmul.f32 v39, v56;
	v56 =	vmul.f32 v39, v48;
	v50 =	vld.idx.msk [tilespmem:v41+s4+$0x0], $0xffff  }
0x115: {  	v39 =	vmul.f32 v47, v57;
	v41 =	vmul.f32 v52, v57;
	v48 =	vld.idx.msk [tilespmem:v51+s4+$0x0], $0xffff  }
0x116: {  	v24 =	vmul.f32 v35, v53;
	v35 =	vmul.f32 v35, v57;
	v49 =	vld.idx.msk [tilespmem:v54+s4+$0x0], $0xffff  }
0x117: {  	v54 =	vmul.f32 v56, v57;
	v51 =	vld.idx.msk [tilespmem:v55+s4+$0x0], $0xffff;
	v55 =	vmul.f32 v56, v53  }
0x118: {  	v52 =	vmul.f32 v52, v53;
	v47 =	vmul.f32 v47, v53  }
0x119: {  	v13 =	vmul.f32 v13, v5;
	v21 =	vmul.f32 v21, v28  }
0x11a: {  	v20 =	vmul.f32 v20, v26;
	v19 =	vmul.f32 v19, v29  }
0x11b: {  	v18 =	vmul.f32 v18, v30;
	v16 =	vmul.f32 v31, v16  }
0x11c: {  	v45 =	vld.idx.msk [tilespmem:v45+s4+$0x0], $0xffff;
	v17 =	vmul.f32 v32, v17;
	v6 =	vmul.f32 v6, v12  }
0x11d: {  	v46 =	vld.idx.msk [tilespmem:v46+s4+$0x0], $0xffff;
	v5 =	vmul.f32 v5, v11;
	v11 =	vmul.f32 v14, v22  }
0x11e: {  	v38 =	vld.idx.msk [tilespmem:v38+s4+$0x0], $0xffff;
	v15 =	vmul.f32 v15, v23;
	v42 =	vmul.f32 v55, v42  }
0x11f: {  	v33 =	vld.idx.msk [tilespmem:v33+s4+$0x0], $0xffff;
	v43 =	vmul.f32 v54, v43;
	v50 =	vmul.f32 v50, v55  }
0x120: {  	v37 =	vld.idx.msk [tilespmem:v37+s4+$0x0], $0xffff;
	v44 =	vmul.f32 v52, v44;
	v13 =	vadd.f32 v13, v40;
	v20 =	vadd.f32 v20, v21  }
0x121: {  	v56 =	vld.idx.msk [tilespmem:v34+s4+$0x0], $0xffff;
	v48 =	vmul.f32 v48, v54;
	v18 =	vadd.f32 v18, v19;
	v16 =	vadd.f32 v17, v16  }
0x122: {  	v58 =	vld.idx.msk [tilespmem:v36+s4+$0x0], $0xffff;
	v5 =	vadd.f32 v5, v6;
	v6 =	vadd.f32 v15, v11;
	v49 =	vmul.f32 v49, v52  }
0x123: {  	v60 =	vld.idx.msk [tilespmem:v27+s4+$0x0], $0xffff;
	v28 =	vadd.f32 v43, v42;
	v63 =	vmul.f32 v51, v41;
	v51 =	vadd.f32 v48, v50  }
0x124: {  	v61 =	vld.idx.msk [tilespmem:v25+s4+$0x0], $0xffff;
	v7 =	vadd.f32 v7, v13;
	v5 =	vadd.f32 v8, v5;
	v52 =	vmul.f32 v45, v47  }
0x125: {  	v6 =	vadd.f32 v20, v6;
	v53 =	vmul.f32 v46, v39;
	v38 =	vmul.f32 v41, v38  }
0x126: {  	v16 =	vadd.f32 v16, v18;
	v55 =	vmul.f32 v33, v47;
	v57 =	vmul.f32 v37, v39  }
0x127: {  	v62 =	vmul.f32 v56, v24;
	v12 =	vmul.f32 v58, v35;
	v54 =	vadd.f32 v63, v49  }
0x128: {  	v14 =	vmul.f32 v24, v60;
	v7 =	vadd.f32 v9, v7;
	v5 =	vadd.f32 v10, v5  }
0x129: {  	v63 =	vmul.f32 v35, v61;
	v6 =	vadd.f32 v16, v6;
	v29 =	vadd.f32 v53, v52  }
0x12a: {  	v59 =	vadd.f32 v38, v44;
	v12 =	vadd.f32 v12, v62  }
0x12b: {  	v21 =	vadd.f32 v57, v55;
	v9 =	vadd.f32 v63, v14  }
0x12c: {  	v11 =	vadd.f32 v29, v54;
	v10 =	vadd.f32 v51, v12  }
0x12d: {  	[tilespmem:s26+$0x80] =	vst v7;
	v8 =	vadd.f32 v21, v59;
	v7 =	vadd.f32 v28, v9  }
0x12e: {  	s0 =	sshll.u32 s23, $0x11;
	[tilespmem:s26+$0x0] =	vst v5;
	v5 =	vadd.f32 v11, v10  }
0x12f: {  	s0 =	sand.u32 $0x20000, s0;
	[tilespmem:s28+$0x0] =	vst v6;
	v6 =	vadd.f32 v8, v7  }
0x130: {  	s0 =	sadd.s32 s0, s3;
	[tilespmem:s29+$0x80] =	vst v5  }
0x131: {  	s9 =	simm.s32 $0x0;
	s2 =	sadd.s32 s15, s0;
	[tilespmem:s29+$0x0] =	vst v6  }
0x132: {  	v5 =	vmov s9;
	[spmem:s2] =	stream.linear.scatter [tilespmem:s16], [sflag:$0x1], $0x2000, $0x38;
	[tilespmem:$0x1E000] =	vst v63  }
0x133: {  	v6 =	vshll.u32 v5, $0x1;
	_ =	swait.ge [sflag:s13], $0x2000  }
0x134: {  	v5 =	vand.u32 $0x7E, v5;
	v6 =	vand.u32 $0x100, v6;
	[sflag:s13] =	ssyncset.done $0x0  }
0x135: {  	v5 =	vor.u32 v5, v6;
	[sflag:s13] =	ssyncadd.s32 $0xFFFFE000  }
0x136: {  	s0 =	sadd.s32 s17, s0;
	v6 =	vor.u32 v3, v5;
	[bflag:$0x0] =	sbarrier.arrive $0xFFFF  }
0x137: {  	v5 =	vor.u32 v4, v5;
	[tilespmem:s20], [sflag:$0x1] =	stream.strided.gather [spmem:s0], $0x2000, s19, s18, $0x38;
	[tilespmem:$0x1E000] =	vst v63  }
0x138: {  	s31 =	simm.s32 $0x1;
	_ =	swait.ge [sflag:s13], $0x2000  }
0x139: {  	v7 =	vmov s31;
	[sflag:s13] =	ssyncset.done $0x0  }
0x13a: {  	v8 =	vshll.u32 v7, $0x1;
	[sflag:s13] =	ssyncadd.s32 $0xFFFFE000  }
0x13b: {  	v7 =	vand.u32 $0x7F, v7;
	v8 =	vand.u32 $0x100, v8;
	v6 =	vld.idx.msk [tilespmem:v6+s20+$0x0], $0xffff  }
0x13c: {  	v7 =	vor.u32 v7, v8;
	v5 =	vld.idx.msk [tilespmem:v5+s20+$0x0], $0xffff  }
0x13d: {  	v8 =	vor.u32 v3, v7  }
0x13e: {  	v7 =	vor.u32 v4, v7  }
0x13f: {  	s25 =	simm.s32 $0x2;
	s2 =	simm.s32 $0x18020  }
0x140: {  	v9 =	vmov s25;
	[tilespmem:s2+$0xFFFFFFE0] =	vst v6  }
0x141: {  	v6 =	vshll.u32 v9, $0x1;
	[tilespmem:s2+$0xFFFFFFF0] =	vst v5  }
0x142: {  	v5 =	vand.u32 $0x7E, v9;
	v9 =	vand.u32 $0x100, v6;
	v6 =	vld.idx.msk [tilespmem:v8+s20+$0x0], $0xffff  }
0x143: {  	v7 =	vld.idx.msk [tilespmem:v7+s20+$0x0], $0xffff;
	v5 =	vor.u32 v5, v9  }
0x144: {  	s26 =	simm.s32 $0x4;
	s28 =	simm.s32 $0x18020;
	v8 =	vor.u32 v3, v5;
	v5 =	vor.u32 v4, v5  }
.LBB2_9:
0x145: {  	p0 =	slt.u32 s26, $0xFE  }
0x146: {  	s2 =	sadd.s32 $0x40, s2;
	s0 =	smov.u32 s26;
	s26 =	sadd.s32 $0x2, s26  }
0x147: {  	s9 =	sadd.s32 $0x1, s25;
	[tilespmem:s28+$0x0] =	vst v6;
	s25 =	smov.u32 s0  }
0x148: {  	v6 =	vmov s9;
	[tilespmem:s28+$0x10] =	vst v7;
	s28 =	smov.u32 s2  }
0x149: {  	v7 =	vld.idx.msk [tilespmem:v8+s20+$0x0], $0xffff;
	v8 =	vshll.u32 v6, $0x1  }
0x14a: {  	v6 =	vand.u32 $0x7F, v6;
	v5 =	vld.idx.msk [tilespmem:v5+s20+$0x0], $0xffff;
	v8 =	vand.u32 $0x100, v8  }
0x14b: {  	v6 =	vor.u32 v6, v8  }
0x14c: {  	v8 =	vor.u32 v3, v6;
	v9 =	vor.u32 v4, v6;
	_ =	sdelay $0x2  }
0x14d: {  	[tilespmem:s2+$0xFFFFFFE0] =	vst v7  }
.Ltmp3:
0x14e: {  	v7 =	vmov s25;
	[tilespmem:s2+$0xFFFFFFF0] =	vst v5;
	(pc) =	sbr.rel @p0 .LBB2_9-.Ltmp3, $4  }
0x14f: {  	v5 =	vshll.u32 v7, $0x1;
	v6 =	vld.idx.msk [tilespmem:v8+s20+$0x0], $0xffff  }
0x150: {  	v8 =	vand.u32 $0x7E, v7;
	v5 =	vand.u32 $0x100, v5;
	v7 =	vld.idx.msk [tilespmem:v9+s20+$0x0], $0xffff  }
0x151: {  	v5 =	vor.u32 v8, v5  }
0x152: {  	v8 =	vor.u32 v3, v5;
	v5 =	vor.u32 v4, v5  }
0x153: {  	_ = 	snop  }
0x154: {  	s0 =	sadd.s32 $0x1, s25  }
0x155: {  	[tilespmem:s28+$0x0] =	vst v6;
	v6 =	vmov s0  }
0x156: {  	[tilespmem:s28+$0x10] =	vst v7;
	v7 =	vshll.u32 v6, $0x1  }
0x157: {  	v6 =	vand.u32 $0x7F, v6;
	v8 =	vld.idx.msk [tilespmem:v8+s20+$0x0], $0xffff;
	v7 =	vand.u32 $0x100, v7  }
0x158: {  	v5 =	vld.idx.msk [tilespmem:v5+s20+$0x0], $0xffff;
	v6 =	vor.u32 v6, v7  }
0x159: {  	v7 =	vor.u32 v3, v6  }
0x15a: {  	v6 =	vor.u32 v4, v6  }
0x15b: {  	s29 =	sadd.s32 $0x40, s2  }
0x15c: {  	[tilespmem:s29+$0xFFFFFFE0] =	vst v8  }
0x15d: {  	[tilespmem:s29+$0xFFFFFFF0] =	vst v5  }
0x15e: {  	v5 =	vld.idx.msk [tilespmem:v7+s20+$0x0], $0xffff  }
0x15f: {  	v6 =	vld.idx.msk [tilespmem:v6+s20+$0x0], $0xffff;
	_ =	sdelay $0x2  }
0x160: {  	s23 =	sadd.s32 $0x1, s23  }
0x161: {  	s30 =	sshll.u32 s24, $0x2;
	p0 =	sne.s32 s23, $0x80;
	[tilespmem:s29+$0x0] =	vst v5  }
.Ltmp4:
0x162: {  	s31 =	sadd.s32 s30, s8;
	[tilespmem:s29+$0x10] =	vst v6;
	(pc) =	sbr.rel @p0 .LBB2_6-.Ltmp4, $4  }
0x163: {  	[hbm4b:s31+s4] =	stream.linear.scatter [tilespmem:s12], [sflag:$0x1], $0x2000, $0x38;
	[tilespmem:$0x1E000] =	vst v63  }
0x164: {  	_ =	swait.ge [sflag:s13], $0x2000  }
0x165: {  	[sflag:s13] =	ssyncset.done $0x0  }
0x166: {  	[sflag:s13] =	ssyncadd.s32 $0xFFFFE000  }
0x167: {  	s21 =	sadd.s32 $0x1, s21;
	s0 =	rddreg [dreg:$0x5]  }
0x168: {  	p0 =	sne.s32 s21, s0  }
.Ltmp5:
0x169: {  	_ = 	snop;
	(pc) =	sbr.rel @p0 .LBB2_1-.Ltmp5, $1  }
0x16a: {  	_ =	sdelay $0x3  }
0x16b: {  	_ =	sfence.sel $0x180000  }
0x16c: {  	[bflag:$0x0] =	sbarrier.arrive $0xFFFF  }
0x16d: {  	_ =	strace $0x90000047  }
0x16e: {  	s0 =	stileid.u32;
	[bflag:$0x2] =	sbarrier.arrive $0xFFFF  }
0x16f: {  	p0 =	sne.s32 s0, $0x0;
	s0 =	rddreg [dreg:$0x4]  }
0x170: {  	s0 =	sadd.s32 @!p0 $0x100000, s0  }
0x171: {  	[sflag:s0] =	ssyncadd.tile.s32 @!p0 $0x1;
	_ =	shalt  }
.Lfunc_end2:
_tile_overlayer_lowered:
.L_overlay_start_2:
0x172: {  	(tag) =	ssettag $0x2  }
0x173: {  	s0 =	rddreg [dreg:$0x0];
	s2 =	stileid.u32  }
0x174: {  	s1 =	rddreg [dreg:$0x1];
	p0 =	sne.s32 s2, $0x0  }
0x175: {  	s3 =	rddreg [dreg:$0x2];
	[bflag:$0x3] =	sbarrier.arrive $0xFFFF;
	s2 =	simm.s32 @!p0 $0x1C01  }
0x176: {  	[timem:s3], [sflag:s2] =	dma.local @!p0 [hbm:s0], s1  }
0x177: {  	s0 =	simm.s32 @!p0 $0x1  }
0x178: {  	_ =	swait.ge @!p0 [sflag:s0], s1  }
0x179: {  	s1 =	ssub.s32 @!p0 $0x0, s1;
	[sflag:s0] =	ssyncset.done @!p0 $0x0  }
0x17a: {  	[sflag:s0] =	ssyncadd.s32 @!p0 s1  }
0x17b: {  	[bflag:$0x3] =	sbarrier.arrive $0xFFFF  }
0x17c: {  	_ =	shalt  }

</sc_bundles>
